<compile_context>
chip_gen: v7x
topology: tpu7x:2x2x1
jax: 0.10.2.dev20260603
libtpu: 0.0.44.dev20260713+nightly
codegen_flags: <defaults>
</compile_context>

<pallas_src>
import jax
import jax.numpy as jnp
from jax import lax
from jax.experimental import pallas as pl
from jax.experimental.pallas import tpu as pltpu
from jax.experimental.pallas import tpu_sc as plsc

N = 10000
E = 320000
D = 128
H = 128
OUT = 64
G = 64
NUM_LAYERS = 3

NC = 2
NS = 16
NW = NC * NS
CHUNK = 64
NBUF = 4
ECH = E // CHUNK
CPT = 156
NSTG = 3
SPC = CPT // NSTG
XTRA = ECH - NW * CPT
NPAD = 10240
RPT = NPAD // NS


def _sc_agg_body(h_hbm, ei_hbm, out_hbm, agg_sh, sd_v, *scr):
    bufs = scr[:NBUF]
    gsems = scr[NBUF:2 * NBUF]
    ssems = scr[2 * NBUF:3 * NBUF]
    c = lax.axis_index("c")
    s = lax.axis_index("s")
    wid = c * NS + s

    pltpu.async_copy(ei_hbm.at[:, pl.ds(wid * CPT * CHUNK, SPC * CHUNK)],
                     sd_v, gsems[0])

    @pl.loop(0, CHUNK)
    def _zr(i):
        @pl.loop(0, H, step=16)
        def _zc(j):
            bufs[0][i, pl.ds(j, 16)] = jnp.zeros((16,), jnp.float32)

    row0 = s * RPT
    nz = RPT // CHUNK
    for r in range(nz):
        pltpu.async_copy(bufs[0], agg_sh.at[pl.ds(row0 + r * CHUNK, CHUNK)],
                         ssems[r % NBUF])
    for b in range(NBUF):
        for _ in range((nz - b + NBUF - 1) // NBUF):
            pltpu.make_async_copy(h_hbm.at[pl.ds(0, CHUNK)], bufs[b],
                                  ssems[b]).wait()
    pltpu.make_async_copy(ei_hbm.at[:, pl.ds(0, SPC * CHUNK)], sd_v,
                          gsems[0]).wait()

    plsc.subcore_barrier()

    def _start_gather(j, b):
        pltpu.async_copy(h_hbm.at[sd_v.at[0, pl.ds(j * CHUNK, CHUNK)]],
                         bufs[b], gsems[b])

    def _start_scatter(j, b):
        pltpu.async_copy(bufs[b],
                         agg_sh.at[sd_v.at[1, pl.ds(j * CHUNK, CHUNK)]],
                         ssems[b], add=True)

    def _wait(b, sems):
        pltpu.make_async_copy(h_hbm.at[pl.ds(0, CHUNK)], bufs[b],
                              sems[b]).wait()

    for st in range(NSTG):
        if st > 0:
            eb = (wid * CPT + st * SPC) * CHUNK
            pltpu.sync_copy(ei_hbm.at[:, pl.ds(eb, SPC * CHUNK)], sd_v)
        for b in range(NBUF):
            _start_gather(b, b)

        @pl.loop(0, SPC - NBUF, step=NBUF)
        def _mn(j):
            _wait(0, gsems)
            _start_scatter(j, 0)
            _wait(1, gsems)
            _start_scatter(j + 1, 1)
            _wait(0, ssems)
            _start_gather(j + NBUF, 0)
            _wait(2, gsems)
            _start_scatter(j + 2, 2)
            _wait(1, ssems)
            _start_gather(j + NBUF + 1, 1)
            _wait(3, gsems)
            _start_scatter(j + 3, 3)
            _wait(2, ssems)
            _start_gather(j + NBUF + 2, 2)
            _wait(3, ssems)
            _start_gather(j + NBUF + 3, 3)

        for b in range(NBUF):
            _wait(b, gsems)
            _start_scatter(SPC - NBUF + b, b)
        for b in range(NBUF):
            _wait(b, ssems)

    @pl.when(wid < XTRA // 2)
    def _tail():
        teb = NW * CPT * CHUNK + wid * (2 * CHUNK)
        pltpu.sync_copy(ei_hbm.at[:, pl.ds(teb, 2 * CHUNK)],
                        sd_v.at[:, pl.ds(0, 2 * CHUNK)])
        for q in range(2):
            pltpu.sync_copy(
                h_hbm.at[sd_v.at[0, pl.ds(q * CHUNK, CHUNK)]], bufs[q])
            pltpu.sync_copy(
                bufs[q], agg_sh.at[sd_v.at[1, pl.ds(q * CHUNK, CHUNK)]],
                add=True)

    plsc.subcore_barrier()
    pltpu.sync_copy(agg_sh.at[pl.ds(row0, RPT)],
                    out_hbm.at[c, pl.ds(row0, RPT)])


@jax.jit
def _sc_agg(h, ei):
    mesh = plsc.VectorSubcoreMesh(core_axis_name="c", subcore_axis_name="s")
    f = pl.kernel(
        _sc_agg_body,
        mesh=mesh,
        out_type=jax.ShapeDtypeStruct((NC, NPAD, H), jnp.float32),
        scratch_types=[
            pltpu.VMEM_SHARED((NPAD, H), jnp.float32),
            pltpu.VMEM((2, SPC * CHUNK), jnp.int32),
        ] + [pltpu.VMEM((CHUNK, H), jnp.float32) for _ in range(NBUF)]
          + [pltpu.SemaphoreType.DMA for _ in range(2 * NBUF)],
    )
    return f(h, ei)


def _tc_layer_body(h_ref, aggs_ref, eps_ref, W1_ref, b1_ref, W2_ref, b2_ref,
                   g_ref, be_ref, out_ref):
    h = h_ref[...]
    agg = aggs_ref[0, :N, :] + aggs_ref[1, :N, :]
    z = (1.0 + eps_ref[...]) * h + agg
    a = jnp.maximum(
        jnp.dot(z, W1_ref[...], preferred_element_type=jnp.float32)
        + b1_ref[...], 0.0)
    b = jnp.maximum(
        jnp.dot(a, W2_ref[...], preferred_element_type=jnp.float32)
        + b2_ref[...], 0.0)
    mean = jnp.mean(b, axis=0)
    var = jnp.mean(b * b, axis=0) - mean * mean
    out_ref[...] = (b - mean) * lax.rsqrt(var + 1e-5) * g_ref[...] + be_ref[...]


@jax.jit
def _tc_layer(h, aggs, epsb, W1, b1, W2, b2, g, be):
    return pl.pallas_call(
        _tc_layer_body,
        out_shape=jax.ShapeDtypeStruct((N, H), jnp.float32),
    )(h, aggs, epsb, W1, b1, W2, b2, g, be)


def _tc_final_body(h_ref, aggs_ref, eps_ref, W1_ref, b1_ref, W2_ref, b2_ref,
                   g_ref, be_ref, batch_ref, l1W_ref, l1b_ref, l2W_ref,
                   l2b_ref, out_ref):
    h = h_ref[...]
    agg = aggs_ref[0, :N, :] + aggs_ref[1, :N, :]
    z = (1.0 + eps_ref[...]) * h + agg
    a = jnp.maximum(
        jnp.dot(z, W1_ref[...], preferred_element_type=jnp.float32)
        + b1_ref[...], 0.0)
    b = jnp.maximum(
        jnp.dot(a, W2_ref[...], preferred_element_type=jnp.float32)
        + b2_ref[...], 0.0)
    mean = jnp.mean(b, axis=0)
    var = jnp.mean(b * b, axis=0) - mean * mean
    hn = (b - mean) * lax.rsqrt(var + 1e-5) * g_ref[...] + be_ref[...]
    bids = batch_ref[0, :]
    onehot = (lax.broadcasted_iota(jnp.int32, (G, N), 0)
              == bids[None, :]).astype(jnp.float32)
    sums = jnp.dot(onehot, hn, preferred_element_type=jnp.float32)
    cnt = jnp.sum(onehot, axis=1)
    pooled = sums / jnp.maximum(cnt, 1.0)[:, None]
    t = jnp.maximum(
        jnp.dot(pooled, l1W_ref[...], preferred_element_type=jnp.float32)
        + l1b_ref[...], 0.0)
    o = jnp.dot(t, l2W_ref[...], preferred_element_type=jnp.float32) \
        + l2b_ref[...]
    m = jnp.max(o, axis=1, keepdims=True)
    lse = jnp.log(jnp.sum(jnp.exp(o - m), axis=1, keepdims=True)) + m
    out_ref[...] = o - lse


@jax.jit
def _tc_final(h, aggs, epsb, W1, b1, W2, b2, g, be, batch2, l1W, l1b, l2W,
              l2b):
    return pl.pallas_call(
        _tc_final_body,
        out_shape=jax.ShapeDtypeStruct((G, OUT), jnp.float32),
    )(h, aggs, epsb, W1, b1, W2, b2, g, be, batch2, l1W, l1b, l2W, l2b)


def kernel(x, edge_index, batch,
           W1_0, b1_0, W2_0, b2_0, g_0, be_0, eps_0,
           W1_1, b1_1, W2_1, b2_1, g_1, be_1, eps_1,
           W1_2, b1_2, W2_2, b2_2, g_2, be_2, eps_2,
           lin1_W, lin1_b, lin2_W, lin2_b):
    batch2 = batch.reshape(1, N)

    params = [
        (W1_0, b1_0, W2_0, b2_0, g_0, be_0, eps_0),
        (W1_1, b1_1, W2_1, b2_1, g_1, be_1, eps_1),
        (W1_2, b1_2, W2_2, b2_2, g_2, be_2, eps_2),
    ]
    h = x
    for l in range(NUM_LAYERS):
        W1, b1, W2, b2, g, be, eps = params[l]
        aggs = _sc_agg(h, edge_index)
        epsb = jnp.broadcast_to(eps.reshape(1, 1), (1, H))
        b1r, b2r = b1.reshape(1, H), b2.reshape(1, H)
        gr, ber = g.reshape(1, H), be.reshape(1, H)
        if l < NUM_LAYERS - 1:
            h = _tc_layer(h, aggs, epsb, W1, b1r, W2, b2r, gr, ber)
        else:
            out = _tc_final(h, aggs, epsb, W1, b1r, W2, b2r, gr, ber,
                            batch2, lin1_W, lin1_b.reshape(1, H), lin2_W,
                            lin2_b.reshape(1, OUT))
    return out

# --- scband reference (transcript-rebuilt; emitter-appended) ---
"""Pipeline reference for scband-gin-4157528342728 (READ-ONLY COPY).

The authoritative reference and input builder live on the scoring server;
editing this copy changes nothing except your own understanding.
"""

import jax, jax.numpy as jnp
import numpy as np

N = 10000
E = 320000
D = 128
H = 128
OUT = 64
G = 64
NUM_LAYERS = 3


def setup_inputs(seed: int = 0):
    key = jax.random.key(seed)
    ks = jax.random.split(key, 40)
    inp = {}
    inp['x'] = jax.random.normal(ks[0], (N, D), dtype=jnp.float32)
    inp['edge_index'] = jax.random.randint(ks[1], (2, E), 0, N, dtype=jnp.int32)
    inp['batch'] = jnp.sort(jax.random.randint(ks[2], (N,), 0, G, dtype=jnp.int32))
    ki = 3
    for l in range(NUM_LAYERS):
        fin = D if l == 0 else H
        inp['W1_%d' % l] = jax.random.normal(ks[ki], (fin, H), dtype=jnp.float32) / np.sqrt(fin); ki += 1
        inp['b1_%d' % l] = jnp.zeros((H,), dtype=jnp.float32)
        inp['W2_%d' % l] = jax.random.normal(ks[ki], (H, H), dtype=jnp.float32) / np.sqrt(H); ki += 1
        inp['b2_%d' % l] = jnp.zeros((H,), dtype=jnp.float32)
        inp['g_%d' % l] = jnp.ones((H,), dtype=jnp.float32)
        inp['be_%d' % l] = jnp.zeros((H,), dtype=jnp.float32)
        inp['eps_%d' % l] = jnp.zeros((), dtype=jnp.float32)
    inp['lin1_W'] = jax.random.normal(ks[ki], (H, H), dtype=jnp.float32) / np.sqrt(H); ki += 1
    inp['lin1_b'] = jnp.zeros((H,), dtype=jnp.float32)
    inp['lin2_W'] = jax.random.normal(ks[ki], (H, OUT), dtype=jnp.float32) / np.sqrt(H); ki += 1
    inp['lin2_b'] = jnp.zeros((OUT,), dtype=jnp.float32)
    return inp


def _gin_layer(h, src, dst, W1, b1, W2, b2, g, be, eps):
    # GINConv (train_eps=True): nn((1+eps)*x + sum_{j in N(i)} x_j)
    agg = jnp.zeros_like(h).at[dst].add(h[src])
    h = (1.0 + eps) * h + agg
    # Sequential(Linear, ReLU, Linear, ReLU, BatchNorm1d)
    h = jax.nn.relu(h @ W1 + b1)
    h = jax.nn.relu(h @ W2 + b2)
    mean = h.mean(axis=0)
    var = h.var(axis=0)
    h = (h - mean) / jnp.sqrt(var + 1e-5) * g + be
    return h


def _forward(x, params, edge_index, batch):
    src = edge_index[0]
    dst = edge_index[1]
    h = x
    for l in range(NUM_LAYERS):
        W1, b1, W2, b2, g, be, eps = params[l]
        h = _gin_layer(h, src, dst, W1, b1, W2, b2, g, be, eps)
    # global_mean_pool
    sums = jax.ops.segment_sum(h, batch, num_segments=G)
    cnt = jax.ops.segment_sum(jnp.ones((h.shape[0],), dtype=h.dtype), batch, num_segments=G)
    pooled = sums / jnp.maximum(cnt, 1.0)[:, None]
    lin1_W, lin1_b, lin2_W, lin2_b = params[NUM_LAYERS]
    h = jax.nn.relu(pooled @ lin1_W + lin1_b)
    # dropout(p=0.5) is identity in eval mode
    h = h @ lin2_W + lin2_b
    return jax.nn.log_softmax(h, axis=-1)


def reference(x, edge_index, batch,
              W1_0, b1_0, W2_0, b2_0, g_0, be_0, eps_0,
              W1_1, b1_1, W2_1, b2_1, g_1, be_1, eps_1,
              W1_2, b1_2, W2_2, b2_2, g_2, be_2, eps_2,
              lin1_W, lin1_b, lin2_W, lin2_b):
    inp = {
        'x': x, 'edge_index': edge_index, 'batch': batch,
        'W1_0': W1_0, 'b1_0': b1_0, 'W2_0': W2_0, 'b2_0': b2_0, 'g_0': g_0, 'be_0': be_0, 'eps_0': eps_0,
        'W1_1': W1_1, 'b1_1': b1_1, 'W2_1': W2_1, 'b2_1': b2_1, 'g_1': g_1, 'be_1': be_1, 'eps_1': eps_1,
        'W1_2': W1_2, 'b1_2': b1_2, 'W2_2': W2_2, 'b2_2': b2_2, 'g_2': g_2, 'be_2': be_2, 'eps_2': eps_2,
        'lin1_W': lin1_W, 'lin1_b': lin1_b, 'lin2_W': lin2_W, 'lin2_b': lin2_b,
    }
    params = []
    for l in range(NUM_LAYERS):
        params.append((inp['W1_%d' % l], inp['b1_%d' % l], inp['W2_%d' % l], inp['b2_%d' % l], inp['g_%d' % l], inp['be_%d' % l], inp['eps_%d' % l]))
    params.append((inp['lin1_W'], inp['lin1_b'], inp['lin2_W'], inp['lin2_b']))
    return _forward(inp['x'], params, inp['edge_index'], inp['batch'])

if __name__ == "__main__":
    import jax
    _d = setup_inputs()
    print(jax.jit(kernel)(*tuple(_d.values())))

</pallas_src>

<mosaic_0001>
#map = affine_map<(d0, d1) -> (0, 0)>
#map1 = affine_map<(d0, d1) -> (0, 0, 0)>
module attributes {stable_mosaic.version = 14 : i64} {
  func.func @_sc_agg_body(%arg0: i32, %arg1: i32, %arg2: memref<10000x128xf32, #tpu.memory_space<hbm>>, %arg3: memref<2x320000xi32, #tpu.memory_space<hbm>>, %arg4: memref<2x10240x128xf32, #tpu.memory_space<hbm>>, %arg5: memref<10240x128xf32, #tpu.memory_space<vmem_shared>>, %arg6: memref<2x3328xi32, #tpu.memory_space<vmem>>, %arg7: memref<64x128xf32, #tpu.memory_space<vmem>>, %arg8: memref<64x128xf32, #tpu.memory_space<vmem>>, %arg9: memref<64x128xf32, #tpu.memory_space<vmem>>, %arg10: memref<64x128xf32, #tpu.memory_space<vmem>>, %arg11: memref<!tpu.dma_semaphore, #tpu.memory_space<semaphore_mem>>, %arg12: memref<!tpu.dma_semaphore, #tpu.memory_space<semaphore_mem>>, %arg13: memref<!tpu.dma_semaphore, #tpu.memory_space<semaphore_mem>>, %arg14: memref<!tpu.dma_semaphore, #tpu.memory_space<semaphore_mem>>, %arg15: memref<!tpu.dma_semaphore, #tpu.memory_space<semaphore_mem>>, %arg16: memref<!tpu.dma_semaphore, #tpu.memory_space<semaphore_mem>>, %arg17: memref<!tpu.dma_semaphore, #tpu.memory_space<semaphore_mem>>, %arg18: memref<!tpu.dma_semaphore, #tpu.memory_space<semaphore_mem>>) attributes {dimension_semantics = [#tpu.dimension_semantics<core_parallel>, #tpu.dimension_semantics<subcore_parallel>], iteration_bounds = array<i64: 2, 16>, scalar_prefetch = 0 : i64, scratch_operands = 14 : i64, tpu.core_type = #tpu.core_type<sc_vector_subcore>, window_params = [{transform_indices = #map}, {transform_indices = #map}, {transform_indices = #map1}]} {
    %mul3A = arith.constant 16 : i32
    %mul3A_0 = arith.muli %arg0, %mul3A : i32
    %add3A = arith.addi %mul3A_0, %arg1 : i32
    %mul3A_1 = arith.constant 156 : i32
    %mul3A_2 = arith.muli %add3A, %mul3A_1 : i32
    %mul3A_3 = arith.constant 64 : i32
    %mul3A_4 = arith.muli %mul3A_2, %mul3A_3 : i32
    %dma_start3A = arith.constant 0 : i32
    %dma_start3A_5 = tpu.memref_slice %arg3[%dma_start3A, %mul3A_4] : memref<2x320000xi32, #tpu.memory_space<hbm>> -> memref<2x3328xi32, #tpu.memory_space<hbm>>
    %dma_start3A_6 = arith.constant 0 : i32
    %dma_start3A_7 = tpu.memref_slice %arg3[%dma_start3A_6, %mul3A_4] : memref<2x320000xi32, #tpu.memory_space<hbm>> -> memref<2x3328xi32, #tpu.memory_space<hbm>>
    tpu.enqueue_dma source(%dma_start3A_7 : memref<2x3328xi32, #tpu.memory_space<hbm>>) target(%arg6 : memref<2x3328xi32, #tpu.memory_space<vmem>>) target_semaphore(%arg11 : memref<!tpu.dma_semaphore, #tpu.memory_space<semaphore_mem>>)
    %scan3A = arith.constant 0 : i32
    %scan3A_8 = arith.constant 64 : i32
    %scan3A_9 = arith.addi %scan3A, %scan3A_8 : i32
    %scan3A_10 = arith.constant 1 : i32
    scf.for %scan3A_481 = %scan3A to %scan3A_9 step %scan3A_10  : i32 {
      %mul3A_482 = arith.constant 1 : i32
      %mul3A_483 = arith.muli %scan3A_481, %mul3A_482 : i32
      %add3A_484 = arith.constant 0 : i32
      %add3A_485 = arith.addi %add3A_484, %mul3A_483 : i32
      %scan3A_486 = arith.constant 0 : i32
      %scan3A_487 = arith.constant 8 : i32
      %scan3A_488 = arith.addi %scan3A_486, %scan3A_487 : i32
      %scan3A_489 = arith.constant 1 : i32
      scf.for %scan3A_491 = %scan3A_486 to %scan3A_488 step %scan3A_489  : i32 {
        %mul3A_492 = arith.constant 16 : i32
        %mul3A_493 = arith.muli %scan3A_491, %mul3A_492 : i32
        %add3A_494 = arith.constant 0 : i32
        %add3A_495 = arith.addi %add3A_494, %mul3A_493 : i32
        %broadcast_in_dim3A = arith.constant 0.000000e+00 : f32
        %broadcast_in_dim3A_496 = vector.broadcast %broadcast_in_dim3A : f32 to vector<16xf32>
        %swap3A = arith.index_cast %add3A_485 : i32 to index
        %swap3A_497 = arith.index_cast %add3A_495 : i32 to index
        %swap3A_498 = tpu.vector_load %arg7[%swap3A, %swap3A_497] {strides = array<i32>} : memref<64x128xf32, #tpu.memory_space<vmem>>, vector<1x16xf32>,
        %swap3A_499 = vector.shape_cast %swap3A_498 : vector<1x16xf32> to vector<16xf32>
        %swap3A_500 = vector.shape_cast %broadcast_in_dim3A_496 : vector<16xf32> to vector<1x16xf32>
        tpu.vector_store %arg7[%swap3A, %swap3A_497], %swap3A_500 {strides = array<i32>} : memref<64x128xf32, #tpu.memory_space<vmem>>, vector<1x16xf32>,
      }
      %scan3A_490 = arith.constant 8 : i32
    }
    %scan3A_11 = arith.constant 64 : i32
    %mul3A_12 = arith.constant 640 : i32
    %mul3A_13 = arith.muli %arg1, %mul3A_12 : i32
    %add3A_14 = arith.constant 0 : i32
    %add3A_15 = arith.addi %mul3A_13, %add3A_14 : i32
    %dma_start3A_16 = arith.constant 0 : i32
    %dma_start3A_17 = tpu.memref_slice %arg5[%add3A_15, %dma_start3A_16] : memref<10240x128xf32, #tpu.memory_space<vmem_shared>> -> memref<64x128xf32, #tpu.memory_space<vmem_shared>>
    %dma_start3A_18 = arith.constant 0 : i32
    %dma_start3A_19 = tpu.memref_slice %arg5[%add3A_15, %dma_start3A_18] : memref<10240x128xf32, #tpu.memory_space<vmem_shared>> -> memref<64x128xf32, #tpu.memory_space<vmem_shared>>
    tpu.enqueue_dma source(%arg7 : memref<64x128xf32, #tpu.memory_space<vmem>>) target(%dma_start3A_19 : memref<64x128xf32, #tpu.memory_space<vmem_shared>>) target_semaphore(%arg15 : memref<!tpu.dma_semaphore, #tpu.memory_space<semaphore_mem>>)
    %add3A_20 = arith.constant 64 : i32
    %add3A_21 = arith.addi %mul3A_13, %add3A_20 : i32
    %dma_start3A_22 = arith.constant 0 : i32
    %dma_start3A_23 = tpu.memref_slice %arg5[%add3A_21, %dma_start3A_22] : memref<10240x128xf32, #tpu.memory_space<vmem_shared>> -> memref<64x128xf32, #tpu.memory_space<vmem_shared>>
    %dma_start3A_24 = arith.constant 0 : i32
    %dma_start3A_25 = tpu.memref_slice %arg5[%add3A_21, %dma_start3A_24] : memref<10240x128xf32, #tpu.memory_space<vmem_shared>> -> memref<64x128xf32, #tpu.memory_space<vmem_shared>>
    tpu.enqueue_dma source(%arg7 : memref<64x128xf32, #tpu.memory_space<vmem>>) target(%dma_start3A_25 : memref<64x128xf32, #tpu.memory_space<vmem_shared>>) target_semaphore(%arg16 : memref<!tpu.dma_semaphore, #tpu.memory_space<semaphore_mem>>)
    %add3A_26 = arith.constant 128 : i32
    %add3A_27 = arith.addi %mul3A_13, %add3A_26 : i32
    %dma_start3A_28 = arith.constant 0 : i32
    %dma_start3A_29 = tpu.memref_slice %arg5[%add3A_27, %dma_start3A_28] : memref<10240x128xf32, #tpu.memory_space<vmem_shared>> -> memref<64x128xf32, #tpu.memory_space<vmem_shared>>
    %dma_start3A_30 = arith.constant 0 : i32
    %dma_start3A_31 = tpu.memref_slice %arg5[%add3A_27, %dma_start3A_30] : memref<10240x128xf32, #tpu.memory_space<vmem_shared>> -> memref<64x128xf32, #tpu.memory_space<vmem_shared>>
    tpu.enqueue_dma source(%arg7 : memref<64x128xf32, #tpu.memory_space<vmem>>) target(%dma_start3A_31 : memref<64x128xf32, #tpu.memory_space<vmem_shared>>) target_semaphore(%arg17 : memref<!tpu.dma_semaphore, #tpu.memory_space<semaphore_mem>>)
    %add3A_32 = arith.constant 192 : i32
    %add3A_33 = arith.addi %mul3A_13, %add3A_32 : i32
    %dma_start3A_34 = arith.constant 0 : i32
    %dma_start3A_35 = tpu.memref_slice %arg5[%add3A_33, %dma_start3A_34] : memref<10240x128xf32, #tpu.memory_space<vmem_shared>> -> memref<64x128xf32, #tpu.memory_space<vmem_shared>>
    %dma_start3A_36 = arith.constant 0 : i32
    %dma_start3A_37 = tpu.memref_slice %arg5[%add3A_33, %dma_start3A_36] : memref<10240x128xf32, #tpu.memory_space<vmem_shared>> -> memref<64x128xf32, #tpu.memory_space<vmem_shared>>
    tpu.enqueue_dma source(%arg7 : memref<64x128xf32, #tpu.memory_space<vmem>>) target(%dma_start3A_37 : memref<64x128xf32, #tpu.memory_space<vmem_shared>>) target_semaphore(%arg18 : memref<!tpu.dma_semaphore, #tpu.memory_space<semaphore_mem>>)
    %add3A_38 = arith.constant 256 : i32
    %add3A_39 = arith.addi %mul3A_13, %add3A_38 : i32
    %dma_start3A_40 = arith.constant 0 : i32
    %dma_start3A_41 = tpu.memref_slice %arg5[%add3A_39, %dma_start3A_40] : memref<10240x128xf32, #tpu.memory_space<vmem_shared>> -> memref<64x128xf32, #tpu.memory_space<vmem_shared>>
    %dma_start3A_42 = arith.constant 0 : i32
    %dma_start3A_43 = tpu.memref_slice %arg5[%add3A_39, %dma_start3A_42] : memref<10240x128xf32, #tpu.memory_space<vmem_shared>> -> memref<64x128xf32, #tpu.memory_space<vmem_shared>>
    tpu.enqueue_dma source(%arg7 : memref<64x128xf32, #tpu.memory_space<vmem>>) target(%dma_start3A_43 : memref<64x128xf32, #tpu.memory_space<vmem_shared>>) target_semaphore(%arg15 : memref<!tpu.dma_semaphore, #tpu.memory_space<semaphore_mem>>)
    %add3A_44 = arith.constant 320 : i32
    %add3A_45 = arith.addi %mul3A_13, %add3A_44 : i32
    %dma_start3A_46 = arith.constant 0 : i32
    %dma_start3A_47 = tpu.memref_slice %arg5[%add3A_45, %dma_start3A_46] : memref<10240x128xf32, #tpu.memory_space<vmem_shared>> -> memref<64x128xf32, #tpu.memory_space<vmem_shared>>
    %dma_start3A_48 = arith.constant 0 : i32
    %dma_start3A_49 = tpu.memref_slice %arg5[%add3A_45, %dma_start3A_48] : memref<10240x128xf32, #tpu.memory_space<vmem_shared>> -> memref<64x128xf32, #tpu.memory_space<vmem_shared>>
    tpu.enqueue_dma source(%arg7 : memref<64x128xf32, #tpu.memory_space<vmem>>) target(%dma_start3A_49 : memref<64x128xf32, #tpu.memory_space<vmem_shared>>) target_semaphore(%arg16 : memref<!tpu.dma_semaphore, #tpu.memory_space<semaphore_mem>>)
    %add3A_50 = arith.constant 384 : i32
    %add3A_51 = arith.addi %mul3A_13, %add3A_50 : i32
    %dma_start3A_52 = arith.constant 0 : i32
    %dma_start3A_53 = tpu.memref_slice %arg5[%add3A_51, %dma_start3A_52] : memref<10240x128xf32, #tpu.memory_space<vmem_shared>> -> memref<64x128xf32, #tpu.memory_space<vmem_shared>>
    %dma_start3A_54 = arith.constant 0 : i32
    %dma_start3A_55 = tpu.memref_slice %arg5[%add3A_51, %dma_start3A_54] : memref<10240x128xf32, #tpu.memory_space<vmem_shared>> -> memref<64x128xf32, #tpu.memory_space<vmem_shared>>
    tpu.enqueue_dma source(%arg7 : memref<64x128xf32, #tpu.memory_space<vmem>>) target(%dma_start3A_55 : memref<64x128xf32, #tpu.memory_space<vmem_shared>>) target_semaphore(%arg17 : memref<!tpu.dma_semaphore, #tpu.memory_space<semaphore_mem>>)
    %add3A_56 = arith.constant 448 : i32
    %add3A_57 = arith.addi %mul3A_13, %add3A_56 : i32
    %dma_start3A_58 = arith.constant 0 : i32
    %dma_start3A_59 = tpu.memref_slice %arg5[%add3A_57, %dma_start3A_58] : memref<10240x128xf32, #tpu.memory_space<vmem_shared>> -> memref<64x128xf32, #tpu.memory_space<vmem_shared>>
    %dma_start3A_60 = arith.constant 0 : i32
    %dma_start3A_61 = tpu.memref_slice %arg5[%add3A_57, %dma_start3A_60] : memref<10240x128xf32, #tpu.memory_space<vmem_shared>> -> memref<64x128xf32, #tpu.memory_space<vmem_shared>>
    tpu.enqueue_dma source(%arg7 : memref<64x128xf32, #tpu.memory_space<vmem>>) target(%dma_start3A_61 : memref<64x128xf32, #tpu.memory_space<vmem_shared>>) target_semaphore(%arg18 : memref<!tpu.dma_semaphore, #tpu.memory_space<semaphore_mem>>)
    %add3A_62 = arith.constant 512 : i32
    %add3A_63 = arith.addi %mul3A_13, %add3A_62 : i32
    %dma_start3A_64 = arith.constant 0 : i32
    %dma_start3A_65 = tpu.memref_slice %arg5[%add3A_63, %dma_start3A_64] : memref<10240x128xf32, #tpu.memory_space<vmem_shared>> -> memref<64x128xf32, #tpu.memory_space<vmem_shared>>
    %dma_start3A_66 = arith.constant 0 : i32
    %dma_start3A_67 = tpu.memref_slice %arg5[%add3A_63, %dma_start3A_66] : memref<10240x128xf32, #tpu.memory_space<vmem_shared>> -> memref<64x128xf32, #tpu.memory_space<vmem_shared>>
    tpu.enqueue_dma source(%arg7 : memref<64x128xf32, #tpu.memory_space<vmem>>) target(%dma_start3A_67 : memref<64x128xf32, #tpu.memory_space<vmem_shared>>) target_semaphore(%arg15 : memref<!tpu.dma_semaphore, #tpu.memory_space<semaphore_mem>>)
    %add3A_68 = arith.constant 576 : i32
    %add3A_69 = arith.addi %mul3A_13, %add3A_68 : i32
    %dma_start3A_70 = arith.constant 0 : i32
    %dma_start3A_71 = tpu.memref_slice %arg5[%add3A_69, %dma_start3A_70] : memref<10240x128xf32, #tpu.memory_space<vmem_shared>> -> memref<64x128xf32, #tpu.memory_space<vmem_shared>>
    %dma_start3A_72 = arith.constant 0 : i32
    %dma_start3A_73 = tpu.memref_slice %arg5[%add3A_69, %dma_start3A_72] : memref<10240x128xf32, #tpu.memory_space<vmem_shared>> -> memref<64x128xf32, #tpu.memory_space<vmem_shared>>
    tpu.enqueue_dma source(%arg7 : memref<64x128xf32, #tpu.memory_space<vmem>>) target(%dma_start3A_73 : memref<64x128xf32, #tpu.memory_space<vmem_shared>>) target_semaphore(%arg16 : memref<!tpu.dma_semaphore, #tpu.memory_space<semaphore_mem>>)
    %dma_wait3A = arith.constant 0 : i32
    %dma_wait3A_74 = arith.constant 0 : i32
    %dma_wait3A_75 = tpu.memref_slice %arg2[%dma_wait3A, %dma_wait3A_74] : memref<10000x128xf32, #tpu.memory_space<hbm>> -> memref<64x128xf32, #tpu.memory_space<hbm>>
    %dma_wait3A_76 = arith.constant 0 : i32
    %dma_wait3A_77 = arith.constant 0 : i32
    %dma_wait3A_78 = tpu.memref_slice %arg2[%dma_wait3A_76, %dma_wait3A_77] : memref<10000x128xf32, #tpu.memory_space<hbm>> -> memref<64x128xf32, #tpu.memory_space<hbm>>
    tpu.wait_dma2 semaphore(%arg15 : memref<!tpu.dma_semaphore, #tpu.memory_space<semaphore_mem>>) src(%dma_wait3A_78 : memref<64x128xf32, #tpu.memory_space<hbm>>) dst(%arg7 : memref<64x128xf32, #tpu.memory_space<vmem>>)
    %dma_wait3A_79 = arith.constant 0 : i32
    %dma_wait3A_80 = arith.constant 0 : i32
    %dma_wait3A_81 = tpu.memref_slice %arg2[%dma_wait3A_79, %dma_wait3A_80] : memref<10000x128xf32, #tpu.memory_space<hbm>> -> memref<64x128xf32, #tpu.memory_space<hbm>>
    %dma_wait3A_82 = arith.constant 0 : i32
    %dma_wait3A_83 = arith.constant 0 : i32
    %dma_wait3A_84 = tpu.memref_slice %arg2[%dma_wait3A_82, %dma_wait3A_83] : memref<10000x128xf32, #tpu.memory_space<hbm>> -> memref<64x128xf32, #tpu.memory_space<hbm>>
    tpu.wait_dma2 semaphore(%arg15 : memref<!tpu.dma_semaphore, #tpu.memory_space<semaphore_mem>>) src(%dma_wait3A_84 : memref<64x128xf32, #tpu.memory_space<hbm>>) dst(%arg7 : memref<64x128xf32, #tpu.memory_space<vmem>>)
    %dma_wait3A_85 = arith.constant 0 : i32
    %dma_wait3A_86 = arith.constant 0 : i32
    %dma_wait3A_87 = tpu.memref_slice %arg2[%dma_wait3A_85, %dma_wait3A_86] : memref<10000x128xf32, #tpu.memory_space<hbm>> -> memref<64x128xf32, #tpu.memory_space<hbm>>
    %dma_wait3A_88 = arith.constant 0 : i32
    %dma_wait3A_89 = arith.constant 0 : i32
    %dma_wait3A_90 = tpu.memref_slice %arg2[%dma_wait3A_88, %dma_wait3A_89] : memref<10000x128xf32, #tpu.memory_space<hbm>> -> memref<64x128xf32, #tpu.memory_space<hbm>>
    tpu.wait_dma2 semaphore(%arg15 : memref<!tpu.dma_semaphore, #tpu.memory_space<semaphore_mem>>) src(%dma_wait3A_90 : memref<64x128xf32, #tpu.memory_space<hbm>>) dst(%arg7 : memref<64x128xf32, #tpu.memory_space<vmem>>)
    %dma_wait3A_91 = arith.constant 0 : i32
    %dma_wait3A_92 = arith.constant 0 : i32
    %dma_wait3A_93 = tpu.memref_slice %arg2[%dma_wait3A_91, %dma_wait3A_92] : memref<10000x128xf32, #tpu.memory_space<hbm>> -> memref<64x128xf32, #tpu.memory_space<hbm>>
    %dma_wait3A_94 = arith.constant 0 : i32
    %dma_wait3A_95 = arith.constant 0 : i32
    %dma_wait3A_96 = tpu.memref_slice %arg2[%dma_wait3A_94, %dma_wait3A_95] : memref<10000x128xf32, #tpu.memory_space<hbm>> -> memref<64x128xf32, #tpu.memory_space<hbm>>
    tpu.wait_dma2 semaphore(%arg16 : memref<!tpu.dma_semaphore, #tpu.memory_space<semaphore_mem>>) src(%dma_wait3A_96 : memref<64x128xf32, #tpu.memory_space<hbm>>) dst(%arg8 : memref<64x128xf32, #tpu.memory_space<vmem>>)
    %dma_wait3A_97 = arith.constant 0 : i32
    %dma_wait3A_98 = arith.constant 0 : i32
    %dma_wait3A_99 = tpu.memref_slice %arg2[%dma_wait3A_97, %dma_wait3A_98] : memref<10000x128xf32, #tpu.memory_space<hbm>> -> memref<64x128xf32, #tpu.memory_space<hbm>>
    %dma_wait3A_100 = arith.constant 0 : i32
    %dma_wait3A_101 = arith.constant 0 : i32
    %dma_wait3A_102 = tpu.memref_slice %arg2[%dma_wait3A_100, %dma_wait3A_101] : memref<10000x128xf32, #tpu.memory_space<hbm>> -> memref<64x128xf32, #tpu.memory_space<hbm>>
    tpu.wait_dma2 semaphore(%arg16 : memref<!tpu.dma_semaphore, #tpu.memory_space<semaphore_mem>>) src(%dma_wait3A_102 : memref<64x128xf32, #tpu.memory_space<hbm>>) dst(%arg8 : memref<64x128xf32, #tpu.memory_space<vmem>>)
    %dma_wait3A_103 = arith.constant 0 : i32
    %dma_wait3A_104 = arith.constant 0 : i32
    %dma_wait3A_105 = tpu.memref_slice %arg2[%dma_wait3A_103, %dma_wait3A_104] : memref<10000x128xf32, #tpu.memory_space<hbm>> -> memref<64x128xf32, #tpu.memory_space<hbm>>
    %dma_wait3A_106 = arith.constant 0 : i32
    %dma_wait3A_107 = arith.constant 0 : i32
    %dma_wait3A_108 = tpu.memref_slice %arg2[%dma_wait3A_106, %dma_wait3A_107] : memref<10000x128xf32, #tpu.memory_space<hbm>> -> memref<64x128xf32, #tpu.memory_space<hbm>>
    tpu.wait_dma2 semaphore(%arg16 : memref<!tpu.dma_semaphore, #tpu.memory_space<semaphore_mem>>) src(%dma_wait3A_108 : memref<64x128xf32, #tpu.memory_space<hbm>>) dst(%arg8 : memref<64x128xf32, #tpu.memory_space<vmem>>)
    %dma_wait3A_109 = arith.constant 0 : i32
    %dma_wait3A_110 = arith.constant 0 : i32
    %dma_wait3A_111 = tpu.memref_slice %arg2[%dma_wait3A_109, %dma_wait3A_110] : memref<10000x128xf32, #tpu.memory_space<hbm>> -> memref<64x128xf32, #tpu.memory_space<hbm>>
    %dma_wait3A_112 = arith.constant 0 : i32
    %dma_wait3A_113 = arith.constant 0 : i32
    %dma_wait3A_114 = tpu.memref_slice %arg2[%dma_wait3A_112, %dma_wait3A_113] : memref<10000x128xf32, #tpu.memory_space<hbm>> -> memref<64x128xf32, #tpu.memory_space<hbm>>
    tpu.wait_dma2 semaphore(%arg17 : memref<!tpu.dma_semaphore, #tpu.memory_space<semaphore_mem>>) src(%dma_wait3A_114 : memref<64x128xf32, #tpu.memory_space<hbm>>) dst(%arg9 : memref<64x128xf32, #tpu.memory_space<vmem>>)
    %dma_wait3A_115 = arith.constant 0 : i32
    %dma_wait3A_116 = arith.constant 0 : i32
    %dma_wait3A_117 = tpu.memref_slice %arg2[%dma_wait3A_115, %dma_wait3A_116] : memref<10000x128xf32, #tpu.memory_space<hbm>> -> memref<64x128xf32, #tpu.memory_space<hbm>>
    %dma_wait3A_118 = arith.constant 0 : i32
    %dma_wait3A_119 = arith.constant 0 : i32
    %dma_wait3A_120 = tpu.memref_slice %arg2[%dma_wait3A_118, %dma_wait3A_119] : memref<10000x128xf32, #tpu.memory_space<hbm>> -> memref<64x128xf32, #tpu.memory_space<hbm>>
    tpu.wait_dma2 semaphore(%arg17 : memref<!tpu.dma_semaphore, #tpu.memory_space<semaphore_mem>>) src(%dma_wait3A_120 : memref<64x128xf32, #tpu.memory_space<hbm>>) dst(%arg9 : memref<64x128xf32, #tpu.memory_space<vmem>>)
    %dma_wait3A_121 = arith.constant 0 : i32
    %dma_wait3A_122 = arith.constant 0 : i32
    %dma_wait3A_123 = tpu.memref_slice %arg2[%dma_wait3A_121, %dma_wait3A_122] : memref<10000x128xf32, #tpu.memory_space<hbm>> -> memref<64x128xf32, #tpu.memory_space<hbm>>
    %dma_wait3A_124 = arith.constant 0 : i32
    %dma_wait3A_125 = arith.constant 0 : i32
    %dma_wait3A_126 = tpu.memref_slice %arg2[%dma_wait3A_124, %dma_wait3A_125] : memref<10000x128xf32, #tpu.memory_space<hbm>> -> memref<64x128xf32, #tpu.memory_space<hbm>>
    tpu.wait_dma2 semaphore(%arg18 : memref<!tpu.dma_semaphore, #tpu.memory_space<semaphore_mem>>) src(%dma_wait3A_126 : memref<64x128xf32, #tpu.memory_space<hbm>>) dst(%arg10 : memref<64x128xf32, #tpu.memory_space<vmem>>)
    %dma_wait3A_127 = arith.constant 0 : i32
    %dma_wait3A_128 = arith.constant 0 : i32
    %dma_wait3A_129 = tpu.memref_slice %arg2[%dma_wait3A_127, %dma_wait3A_128] : memref<10000x128xf32, #tpu.memory_space<hbm>> -> memref<64x128xf32, #tpu.memory_space<hbm>>
    %dma_wait3A_130 = arith.constant 0 : i32
    %dma_wait3A_131 = arith.constant 0 : i32
    %dma_wait3A_132 = tpu.memref_slice %arg2[%dma_wait3A_130, %dma_wait3A_131] : memref<10000x128xf32, #tpu.memory_space<hbm>> -> memref<64x128xf32, #tpu.memory_space<hbm>>
    tpu.wait_dma2 semaphore(%arg18 : memref<!tpu.dma_semaphore, #tpu.memory_space<semaphore_mem>>) src(%dma_wait3A_132 : memref<64x128xf32, #tpu.memory_space<hbm>>) dst(%arg10 : memref<64x128xf32, #tpu.memory_space<vmem>>)
    %dma_wait3A_133 = arith.constant 0 : i32
    %dma_wait3A_134 = arith.constant 0 : i32
    %dma_wait3A_135 = tpu.memref_slice %arg3[%dma_wait3A_133, %dma_wait3A_134] : memref<2x320000xi32, #tpu.memory_space<hbm>> -> memref<2x3328xi32, #tpu.memory_space<hbm>>
    %dma_wait3A_136 = arith.constant 0 : i32
    %dma_wait3A_137 = arith.constant 0 : i32
    %dma_wait3A_138 = tpu.memref_slice %arg3[%dma_wait3A_136, %dma_wait3A_137] : memref<2x320000xi32, #tpu.memory_space<hbm>> -> memref<2x3328xi32, #tpu.memory_space<hbm>>
    tpu.wait_dma2 semaphore(%arg11 : memref<!tpu.dma_semaphore, #tpu.memory_space<semaphore_mem>>) src(%dma_wait3A_138 : memref<2x3328xi32, #tpu.memory_space<hbm>>) dst(%arg6 : memref<2x3328xi32, #tpu.memory_space<vmem>>)
    %barrier3A = arith.constant 0 : index
    tpu.barrier barrier_id(%barrier3A)
    %dma_start3A_139 = arith.constant 0 : i32
    %dma_start3A_140 = arith.constant 0 : i32
    %dma_start3A_141 = tpu.memref_slice %arg6[%dma_start3A_139, %dma_start3A_140] : memref<2x3328xi32, #tpu.memory_space<vmem>> -> memref<1x64xi32, #tpu.memory_space<vmem>>
    %dma_start3A_142 = tpu.memref_squeeze %dma_start3A_141 : memref<1x64xi32, #tpu.memory_space<vmem>> -> memref<64xi32, #tpu.memory_space<vmem>>
    %dma_start3A_143 = arith.constant 0 : i32
    %dma_start3A_144 = arith.constant 0 : i32
    %dma_start3A_145 = tpu.memref_slice %arg2[%dma_start3A_143, %dma_start3A_144] : memref<10000x128xf32, #tpu.memory_space<hbm>> -> memref<10000x128xf32, #tpu.memory_space<hbm>>
    tpu.enqueue_indirect_dma source(%dma_start3A_145 : memref<10000x128xf32, #tpu.memory_space<hbm>>) target(%arg7 : memref<64x128xf32, #tpu.memory_space<vmem>>) offsets(%dma_start3A_142 : memref<64xi32, #tpu.memory_space<vmem>>) semaphore(%arg11 : memref<!tpu.dma_semaphore, #tpu.memory_space<semaphore_mem>>)
    %dma_start3A_146 = arith.constant 0 : i32
    %dma_start3A_147 = arith.constant 64 : i32
    %dma_start3A_148 = tpu.memref_slice %arg6[%dma_start3A_146, %dma_start3A_147] : memref<2x3328xi32, #tpu.memory_space<vmem>> -> memref<1x64xi32, #tpu.memory_space<vmem>>
    %dma_start3A_149 = tpu.memref_squeeze %dma_start3A_148 : memref<1x64xi32, #tpu.memory_space<vmem>> -> memref<64xi32, #tpu.memory_space<vmem>>
    %dma_start3A_150 = arith.constant 0 : i32
    %dma_start3A_151 = arith.constant 0 : i32
    %dma_start3A_152 = tpu.memref_slice %arg2[%dma_start3A_150, %dma_start3A_151] : memref<10000x128xf32, #tpu.memory_space<hbm>> -> memref<10000x128xf32, #tpu.memory_space<hbm>>
    tpu.enqueue_indirect_dma source(%dma_start3A_152 : memref<10000x128xf32, #tpu.memory_space<hbm>>) target(%arg8 : memref<64x128xf32, #tpu.memory_space<vmem>>) offsets(%dma_start3A_149 : memref<64xi32, #tpu.memory_space<vmem>>) semaphore(%arg12 : memref<!tpu.dma_semaphore, #tpu.memory_space<semaphore_mem>>)
    %dma_start3A_153 = arith.constant 0 : i32
    %dma_start3A_154 = arith.constant 128 : i32
    %dma_start3A_155 = tpu.memref_slice %arg6[%dma_start3A_153, %dma_start3A_154] : memref<2x3328xi32, #tpu.memory_space<vmem>> -> memref<1x64xi32, #tpu.memory_space<vmem>>
    %dma_start3A_156 = tpu.memref_squeeze %dma_start3A_155 : memref<1x64xi32, #tpu.memory_space<vmem>> -> memref<64xi32, #tpu.memory_space<vmem>>
    %dma_start3A_157 = arith.constant 0 : i32
    %dma_start3A_158 = arith.constant 0 : i32
    %dma_start3A_159 = tpu.memref_slice %arg2[%dma_start3A_157, %dma_start3A_158] : memref<10000x128xf32, #tpu.memory_space<hbm>> -> memref<10000x128xf32, #tpu.memory_space<hbm>>
    tpu.enqueue_indirect_dma source(%dma_start3A_159 : memref<10000x128xf32, #tpu.memory_space<hbm>>) target(%arg9 : memref<64x128xf32, #tpu.memory_space<vmem>>) offsets(%dma_start3A_156 : memref<64xi32, #tpu.memory_space<vmem>>) semaphore(%arg13 : memref<!tpu.dma_semaphore, #tpu.memory_space<semaphore_mem>>)
    %dma_start3A_160 = arith.constant 0 : i32
    %dma_start3A_161 = arith.constant 192 : i32
    %dma_start3A_162 = tpu.memref_slice %arg6[%dma_start3A_160, %dma_start3A_161] : memref<2x3328xi32, #tpu.memory_space<vmem>> -> memref<1x64xi32, #tpu.memory_space<vmem>>
    %dma_start3A_163 = tpu.memref_squeeze %dma_start3A_162 : memref<1x64xi32, #tpu.memory_space<vmem>> -> memref<64xi32, #tpu.memory_space<vmem>>
    %dma_start3A_164 = arith.constant 0 : i32
    %dma_start3A_165 = arith.constant 0 : i32
    %dma_start3A_166 = tpu.memref_slice %arg2[%dma_start3A_164, %dma_start3A_165] : memref<10000x128xf32, #tpu.memory_space<hbm>> -> memref<10000x128xf32, #tpu.memory_space<hbm>>
    tpu.enqueue_indirect_dma source(%dma_start3A_166 : memref<10000x128xf32, #tpu.memory_space<hbm>>) target(%arg10 : memref<64x128xf32, #tpu.memory_space<vmem>>) offsets(%dma_start3A_163 : memref<64xi32, #tpu.memory_space<vmem>>) semaphore(%arg14 : memref<!tpu.dma_semaphore, #tpu.memory_space<semaphore_mem>>)
    %scan3A_167 = arith.constant 0 : i32
    %scan3A_168 = arith.constant 12 : i32
    %scan3A_169 = arith.addi %scan3A_167, %scan3A_168 : i32
    %scan3A_170 = arith.constant 1 : i32
    scf.for %scan3A_481 = %scan3A_167 to %scan3A_169 step %scan3A_170  : i32 {
      %mul3A_482 = arith.constant 4 : i32
      %mul3A_483 = arith.muli %scan3A_481, %mul3A_482 : i32
      %add3A_484 = arith.constant 0 : i32
      %add3A_485 = arith.addi %add3A_484, %mul3A_483 : i32
      %dma_wait3A_486 = arith.constant 0 : i32
      %dma_wait3A_487 = arith.constant 0 : i32
      %dma_wait3A_488 = tpu.memref_slice %arg2[%dma_wait3A_486, %dma_wait3A_487] : memref<10000x128xf32, #tpu.memory_space<hbm>> -> memref<64x128xf32, #tpu.memory_space<hbm>>
      %dma_wait3A_489 = arith.constant 0 : i32
      %dma_wait3A_490 = arith.constant 0 : i32
      %dma_wait3A_491 = tpu.memref_slice %arg2[%dma_wait3A_489, %dma_wait3A_490] : memref<10000x128xf32, #tpu.memory_space<hbm>> -> memref<64x128xf32, #tpu.memory_space<hbm>>
      tpu.wait_dma2 semaphore(%arg11 : memref<!tpu.dma_semaphore, #tpu.memory_space<semaphore_mem>>) src(%dma_wait3A_491 : memref<64x128xf32, #tpu.memory_space<hbm>>) dst(%arg7 : memref<64x128xf32, #tpu.memory_space<vmem>>)
      %mul3A_492 = arith.constant 64 : i32
      %mul3A_493 = arith.muli %add3A_485, %mul3A_492 : i32
      %dma_start3A_494 = arith.constant 1 : i32
      %dma_start3A_495 = tpu.memref_slice %arg6[%dma_start3A_494, %mul3A_493] : memref<2x3328xi32, #tpu.memory_space<vmem>> -> memref<1x64xi32, #tpu.memory_space<vmem>>
      %dma_start3A_496 = tpu.memref_squeeze %dma_start3A_495 : memref<1x64xi32, #tpu.memory_space<vmem>> -> memref<64xi32, #tpu.memory_space<vmem>>
      %dma_start3A_497 = arith.constant 0 : i32
      %dma_start3A_498 = arith.constant 0 : i32
      %dma_start3A_499 = tpu.memref_slice %arg5[%dma_start3A_497, %dma_start3A_498] : memref<10240x128xf32, #tpu.memory_space<vmem_shared>> -> memref<10240x128xf32, #tpu.memory_space<vmem_shared>>
      tpu.enqueue_indirect_dma source(%arg7 : memref<64x128xf32, #tpu.memory_space<vmem>>) target(%dma_start3A_499 : memref<10240x128xf32, #tpu.memory_space<vmem_shared>>) offsets(%dma_start3A_496 : memref<64xi32, #tpu.memory_space<vmem>>) semaphore(%arg15 : memref<!tpu.dma_semaphore, #tpu.memory_space<semaphore_mem>>) {add = true}
      %dma_wait3A_500 = arith.constant 0 : i32
      %dma_wait3A_501 = arith.constant 0 : i32
      %dma_wait3A_502 = tpu.memref_slice %arg2[%dma_wait3A_500, %dma_wait3A_501] : memref<10000x128xf32, #tpu.memory_space<hbm>> -> memref<64x128xf32, #tpu.memory_space<hbm>>
      %dma_wait3A_503 = arith.constant 0 : i32
      %dma_wait3A_504 = arith.constant 0 : i32
      %dma_wait3A_505 = tpu.memref_slice %arg2[%dma_wait3A_503, %dma_wait3A_504] : memref<10000x128xf32, #tpu.memory_space<hbm>> -> memref<64x128xf32, #tpu.memory_space<hbm>>
      tpu.wait_dma2 semaphore(%arg12 : memref<!tpu.dma_semaphore, #tpu.memory_space<semaphore_mem>>) src(%dma_wait3A_505 : memref<64x128xf32, #tpu.memory_space<hbm>>) dst(%arg8 : memref<64x128xf32, #tpu.memory_space<vmem>>)
      %add3A_506 = arith.constant 1 : i32
      %add3A_507 = arith.addi %add3A_485, %add3A_506 : i32
      %mul3A_508 = arith.constant 64 : i32
      %mul3A_509 = arith.muli %add3A_507, %mul3A_508 : i32
      %dma_start3A_510 = arith.constant 1 : i32
      %dma_start3A_511 = tpu.memref_slice %arg6[%dma_start3A_510, %mul3A_509] : memref<2x3328xi32, #tpu.memory_space<vmem>> -> memref<1x64xi32, #tpu.memory_space<vmem>>
      %dma_start3A_512 = tpu.memref_squeeze %dma_start3A_511 : memref<1x64xi32, #tpu.memory_space<vmem>> -> memref<64xi32, #tpu.memory_space<vmem>>
      %dma_start3A_513 = arith.constant 0 : i32
      %dma_start3A_514 = arith.constant 0 : i32
      %dma_start3A_515 = tpu.memref_slice %arg5[%dma_start3A_513, %dma_start3A_514] : memref<10240x128xf32, #tpu.memory_space<vmem_shared>> -> memref<10240x128xf32, #tpu.memory_space<vmem_shared>>
      tpu.enqueue_indirect_dma source(%arg8 : memref<64x128xf32, #tpu.memory_space<vmem>>) target(%dma_start3A_515 : memref<10240x128xf32, #tpu.memory_space<vmem_shared>>) offsets(%dma_start3A_512 : memref<64xi32, #tpu.memory_space<vmem>>) semaphore(%arg16 : memref<!tpu.dma_semaphore, #tpu.memory_space<semaphore_mem>>) {add = true}
      %dma_wait3A_516 = arith.constant 0 : i32
      %dma_wait3A_517 = arith.constant 0 : i32
      %dma_wait3A_518 = tpu.memref_slice %arg2[%dma_wait3A_516, %dma_wait3A_517] : memref<10000x128xf32, #tpu.memory_space<hbm>> -> memref<64x128xf32, #tpu.memory_space<hbm>>
      %dma_wait3A_519 = arith.constant 0 : i32
      %dma_wait3A_520 = arith.constant 0 : i32
      %dma_wait3A_521 = tpu.memref_slice %arg2[%dma_wait3A_519, %dma_wait3A_520] : memref<10000x128xf32, #tpu.memory_space<hbm>> -> memref<64x128xf32, #tpu.memory_space<hbm>>
      tpu.wait_dma2 semaphore(%arg15 : memref<!tpu.dma_semaphore, #tpu.memory_space<semaphore_mem>>) src(%dma_wait3A_521 : memref<64x128xf32, #tpu.memory_space<hbm>>) dst(%arg7 : memref<64x128xf32, #tpu.memory_space<vmem>>)
      %add3A_522 = arith.constant 4 : i32
      %add3A_523 = arith.addi %add3A_485, %add3A_522 : i32
      %mul3A_524 = arith.constant 64 : i32
      %mul3A_525 = arith.muli %add3A_523, %mul3A_524 : i32
      %dma_start3A_526 = arith.constant 0 : i32
      %dma_start3A_527 = tpu.memref_slice %arg6[%dma_start3A_526, %mul3A_525] : memref<2x3328xi32, #tpu.memory_space<vmem>> -> memref<1x64xi32, #tpu.memory_space<vmem>>
      %dma_start3A_528 = tpu.memref_squeeze %dma_start3A_527 : memref<1x64xi32, #tpu.memory_space<vmem>> -> memref<64xi32, #tpu.memory_space<vmem>>
      %dma_start3A_529 = arith.constant 0 : i32
      %dma_start3A_530 = arith.constant 0 : i32
      %dma_start3A_531 = tpu.memref_slice %arg2[%dma_start3A_529, %dma_start3A_530] : memref<10000x128xf32, #tpu.memory_space<hbm>> -> memref<10000x128xf32, #tpu.memory_space<hbm>>
      tpu.enqueue_indirect_dma source(%dma_start3A_531 : memref<10000x128xf32, #tpu.memory_space<hbm>>) target(%arg7 : memref<64x128xf32, #tpu.memory_space<vmem>>) offsets(%dma_start3A_528 : memref<64xi32, #tpu.memory_space<vmem>>) semaphore(%arg11 : memref<!tpu.dma_semaphore, #tpu.memory_space<semaphore_mem>>)
      %dma_wait3A_532 = arith.constant 0 : i32
      %dma_wait3A_533 = arith.constant 0 : i32
      %dma_wait3A_534 = tpu.memref_slice %arg2[%dma_wait3A_532, %dma_wait3A_533] : memref<10000x128xf32, #tpu.memory_space<hbm>> -> memref<64x128xf32, #tpu.memory_space<hbm>>
      %dma_wait3A_535 = arith.constant 0 : i32
      %dma_wait3A_536 = arith.constant 0 : i32
      %dma_wait3A_537 = tpu.memref_slice %arg2[%dma_wait3A_535, %dma_wait3A_536] : memref<10000x128xf32, #tpu.memory_space<hbm>> -> memref<64x128xf32, #tpu.memory_space<hbm>>
      tpu.wait_dma2 semaphore(%arg13 : memref<!tpu.dma_semaphore, #tpu.memory_space<semaphore_mem>>) src(%dma_wait3A_537 : memref<64x128xf32, #tpu.memory_space<hbm>>) dst(%arg9 : memref<64x128xf32, #tpu.memory_space<vmem>>)
      %add3A_538 = arith.constant 2 : i32
      %add3A_539 = arith.addi %add3A_485, %add3A_538 : i32
      %mul3A_540 = arith.constant 64 : i32
      %mul3A_541 = arith.muli %add3A_539, %mul3A_540 : i32
      %dma_start3A_542 = arith.constant 1 : i32
      %dma_start3A_543 = tpu.memref_slice %arg6[%dma_start3A_542, %mul3A_541] : memref<2x3328xi32, #tpu.memory_space<vmem>> -> memref<1x64xi32, #tpu.memory_space<vmem>>
      %dma_start3A_544 = tpu.memref_squeeze %dma_start3A_543 : memref<1x64xi32, #tpu.memory_space<vmem>> -> memref<64xi32, #tpu.memory_space<vmem>>
      %dma_start3A_545 = arith.constant 0 : i32
      %dma_start3A_546 = arith.constant 0 : i32
      %dma_start3A_547 = tpu.memref_slice %arg5[%dma_start3A_545, %dma_start3A_546] : memref<10240x128xf32, #tpu.memory_space<vmem_shared>> -> memref<10240x128xf32, #tpu.memory_space<vmem_shared>>
      tpu.enqueue_indirect_dma source(%arg9 : memref<64x128xf32, #tpu.memory_space<vmem>>) target(%dma_start3A_547 : memref<10240x128xf32, #tpu.memory_space<vmem_shared>>) offsets(%dma_start3A_544 : memref<64xi32, #tpu.memory_space<vmem>>) semaphore(%arg17 : memref<!tpu.dma_semaphore, #tpu.memory_space<semaphore_mem>>) {add = true}
      %dma_wait3A_548 = arith.constant 0 : i32
      %dma_wait3A_549 = arith.constant 0 : i32
      %dma_wait3A_550 = tpu.memref_slice %arg2[%dma_wait3A_548, %dma_wait3A_549] : memref<10000x128xf32, #tpu.memory_space<hbm>> -> memref<64x128xf32, #tpu.memory_space<hbm>>
      %dma_wait3A_551 = arith.constant 0 : i32
      %dma_wait3A_552 = arith.constant 0 : i32
      %dma_wait3A_553 = tpu.memref_slice %arg2[%dma_wait3A_551, %dma_wait3A_552] : memref<10000x128xf32, #tpu.memory_space<hbm>> -> memref<64x128xf32, #tpu.memory_space<hbm>>
      tpu.wait_dma2 semaphore(%arg16 : memref<!tpu.dma_semaphore, #tpu.memory_space<semaphore_mem>>) src(%dma_wait3A_553 : memref<64x128xf32, #tpu.memory_space<hbm>>) dst(%arg8 : memref<64x128xf32, #tpu.memory_space<vmem>>)
      %add3A_554 = arith.constant 4 : i32
      %add3A_555 = arith.addi %add3A_485, %add3A_554 : i32
      %add3A_556 = arith.constant 1 : i32
      %add3A_557 = arith.addi %add3A_555, %add3A_556 : i32
      %mul3A_558 = arith.constant 64 : i32
      %mul3A_559 = arith.muli %add3A_557, %mul3A_558 : i32
      %dma_start3A_560 = arith.constant 0 : i32
      %dma_start3A_561 = tpu.memref_slice %arg6[%dma_start3A_560, %mul3A_559] : memref<2x3328xi32, #tpu.memory_space<vmem>> -> memref<1x64xi32, #tpu.memory_space<vmem>>
      %dma_start3A_562 = tpu.memref_squeeze %dma_start3A_561 : memref<1x64xi32, #tpu.memory_space<vmem>> -> memref<64xi32, #tpu.memory_space<vmem>>
      %dma_start3A_563 = arith.constant 0 : i32
      %dma_start3A_564 = arith.constant 0 : i32
      %dma_start3A_565 = tpu.memref_slice %arg2[%dma_start3A_563, %dma_start3A_564] : memref<10000x128xf32, #tpu.memory_space<hbm>> -> memref<10000x128xf32, #tpu.memory_space<hbm>>
      tpu.enqueue_indirect_dma source(%dma_start3A_565 : memref<10000x128xf32, #tpu.memory_space<hbm>>) target(%arg8 : memref<64x128xf32, #tpu.memory_space<vmem>>) offsets(%dma_start3A_562 : memref<64xi32, #tpu.memory_space<vmem>>) semaphore(%arg12 : memref<!tpu.dma_semaphore, #tpu.memory_space<semaphore_mem>>)
      %dma_wait3A_566 = arith.constant 0 : i32
      %dma_wait3A_567 = arith.constant 0 : i32
      %dma_wait3A_568 = tpu.memref_slice %arg2[%dma_wait3A_566, %dma_wait3A_567] : memref<10000x128xf32, #tpu.memory_space<hbm>> -> memref<64x128xf32, #tpu.memory_space<hbm>>
      %dma_wait3A_569 = arith.constant 0 : i32
      %dma_wait3A_570 = arith.constant 0 : i32
      %dma_wait3A_571 = tpu.memref_slice %arg2[%dma_wait3A_569, %dma_wait3A_570] : memref<10000x128xf32, #tpu.memory_space<hbm>> -> memref<64x128xf32, #tpu.memory_space<hbm>>
      tpu.wait_dma2 semaphore(%arg14 : memref<!tpu.dma_semaphore, #tpu.memory_space<semaphore_mem>>) src(%dma_wait3A_571 : memref<64x128xf32, #tpu.memory_space<hbm>>) dst(%arg10 : memref<64x128xf32, #tpu.memory_space<vmem>>)
      %add3A_572 = arith.constant 3 : i32
      %add3A_573 = arith.addi %add3A_485, %add3A_572 : i32
      %mul3A_574 = arith.constant 64 : i32
      %mul3A_575 = arith.muli %add3A_573, %mul3A_574 : i32
      %dma_start3A_576 = arith.constant 1 : i32
      %dma_start3A_577 = tpu.memref_slice %arg6[%dma_start3A_576, %mul3A_575] : memref<2x3328xi32, #tpu.memory_space<vmem>> -> memref<1x64xi32, #tpu.memory_space<vmem>>
      %dma_start3A_578 = tpu.memref_squeeze %dma_start3A_577 : memref<1x64xi32, #tpu.memory_space<vmem>> -> memref<64xi32, #tpu.memory_space<vmem>>
      %dma_start3A_579 = arith.constant 0 : i32
      %dma_start3A_580 = arith.constant 0 : i32
      %dma_start3A_581 = tpu.memref_slice %arg5[%dma_start3A_579, %dma_start3A_580] : memref<10240x128xf32, #tpu.memory_space<vmem_shared>> -> memref<10240x128xf32, #tpu.memory_space<vmem_shared>>
      tpu.enqueue_indirect_dma source(%arg10 : memref<64x128xf32, #tpu.memory_space<vmem>>) target(%dma_start3A_581 : memref<10240x128xf32, #tpu.memory_space<vmem_shared>>) offsets(%dma_start3A_578 : memref<64xi32, #tpu.memory_space<vmem>>) semaphore(%arg18 : memref<!tpu.dma_semaphore, #tpu.memory_space<semaphore_mem>>) {add = true}
      %dma_wait3A_582 = arith.constant 0 : i32
      %dma_wait3A_583 = arith.constant 0 : i32
      %dma_wait3A_584 = tpu.memref_slice %arg2[%dma_wait3A_582, %dma_wait3A_583] : memref<10000x128xf32, #tpu.memory_space<hbm>> -> memref<64x128xf32, #tpu.memory_space<hbm>>
      %dma_wait3A_585 = arith.constant 0 : i32
      %dma_wait3A_586 = arith.constant 0 : i32
      %dma_wait3A_587 = tpu.memref_slice %arg2[%dma_wait3A_585, %dma_wait3A_586] : memref<10000x128xf32, #tpu.memory_space<hbm>> -> memref<64x128xf32, #tpu.memory_space<hbm>>
      tpu.wait_dma2 semaphore(%arg17 : memref<!tpu.dma_semaphore, #tpu.memory_space<semaphore_mem>>) src(%dma_wait3A_587 : memref<64x128xf32, #tpu.memory_space<hbm>>) dst(%arg9 : memref<64x128xf32, #tpu.memory_space<vmem>>)
      %add3A_588 = arith.constant 4 : i32
      %add3A_589 = arith.addi %add3A_485, %add3A_588 : i32
      %add3A_590 = arith.constant 2 : i32
      %add3A_591 = arith.addi %add3A_589, %add3A_590 : i32
      %mul3A_592 = arith.constant 64 : i32
      %mul3A_593 = arith.muli %add3A_591, %mul3A_592 : i32
      %dma_start3A_594 = arith.constant 0 : i32
      %dma_start3A_595 = tpu.memref_slice %arg6[%dma_start3A_594, %mul3A_593] : memref<2x3328xi32, #tpu.memory_space<vmem>> -> memref<1x64xi32, #tpu.memory_space<vmem>>
      %dma_start3A_596 = tpu.memref_squeeze %dma_start3A_595 : memref<1x64xi32, #tpu.memory_space<vmem>> -> memref<64xi32, #tpu.memory_space<vmem>>
      %dma_start3A_597 = arith.constant 0 : i32
      %dma_start3A_598 = arith.constant 0 : i32
      %dma_start3A_599 = tpu.memref_slice %arg2[%dma_start3A_597, %dma_start3A_598] : memref<10000x128xf32, #tpu.memory_space<hbm>> -> memref<10000x128xf32, #tpu.memory_space<hbm>>
      tpu.enqueue_indirect_dma source(%dma_start3A_599 : memref<10000x128xf32, #tpu.memory_space<hbm>>) target(%arg9 : memref<64x128xf32, #tpu.memory_space<vmem>>) offsets(%dma_start3A_596 : memref<64xi32, #tpu.memory_space<vmem>>) semaphore(%arg13 : memref<!tpu.dma_semaphore, #tpu.memory_space<semaphore_mem>>)
      %dma_wait3A_600 = arith.constant 0 : i32
      %dma_wait3A_601 = arith.constant 0 : i32
      %dma_wait3A_602 = tpu.memref_slice %arg2[%dma_wait3A_600, %dma_wait3A_601] : memref<10000x128xf32, #tpu.memory_space<hbm>> -> memref<64x128xf32, #tpu.memory_space<hbm>>
      %dma_wait3A_603 = arith.constant 0 : i32
      %dma_wait3A_604 = arith.constant 0 : i32
      %dma_wait3A_605 = tpu.memref_slice %arg2[%dma_wait3A_603, %dma_wait3A_604] : memref<10000x128xf32, #tpu.memory_space<hbm>> -> memref<64x128xf32, #tpu.memory_space<hbm>>
      tpu.wait_dma2 semaphore(%arg18 : memref<!tpu.dma_semaphore, #tpu.memory_space<semaphore_mem>>) src(%dma_wait3A_605 : memref<64x128xf32, #tpu.memory_space<hbm>>) dst(%arg10 : memref<64x128xf32, #tpu.memory_space<vmem>>)
      %add3A_606 = arith.constant 4 : i32
      %add3A_607 = arith.addi %add3A_485, %add3A_606 : i32
      %add3A_608 = arith.constant 3 : i32
      %add3A_609 = arith.addi %add3A_607, %add3A_608 : i32
      %mul3A_610 = arith.constant 64 : i32
      %mul3A_611 = arith.muli %add3A_609, %mul3A_610 : i32
      %dma_start3A_612 = arith.constant 0 : i32
      %dma_start3A_613 = tpu.memref_slice %arg6[%dma_start3A_612, %mul3A_611] : memref<2x3328xi32, #tpu.memory_space<vmem>> -> memref<1x64xi32, #tpu.memory_space<vmem>>
      %dma_start3A_614 = tpu.memref_squeeze %dma_start3A_613 : memref<1x64xi32, #tpu.memory_space<vmem>> -> memref<64xi32, #tpu.memory_space<vmem>>
      %dma_start3A_615 = arith.constant 0 : i32
      %dma_start3A_616 = arith.constant 0 : i32
      %dma_start3A_617 = tpu.memref_slice %arg2[%dma_start3A_615, %dma_start3A_616] : memref<10000x128xf32, #tpu.memory_space<hbm>> -> memref<10000x128xf32, #tpu.memory_space<hbm>>
      tpu.enqueue_indirect_dma source(%dma_start3A_617 : memref<10000x128xf32, #tpu.memory_space<hbm>>) target(%arg10 : memref<64x128xf32, #tpu.memory_space<vmem>>) offsets(%dma_start3A_614 : memref<64xi32, #tpu.memory_space<vmem>>) semaphore(%arg14 : memref<!tpu.dma_semaphore, #tpu.memory_space<semaphore_mem>>)
    }
    %scan3A_171 = arith.constant 12 : i32
    %dma_wait3A_172 = arith.constant 0 : i32
    %dma_wait3A_173 = arith.constant 0 : i32
    %dma_wait3A_174 = tpu.memref_slice %arg2[%dma_wait3A_172, %dma_wait3A_173] : memref<10000x128xf32, #tpu.memory_space<hbm>> -> memref<64x128xf32, #tpu.memory_space<hbm>>
    %dma_wait3A_175 = arith.constant 0 : i32
    %dma_wait3A_176 = arith.constant 0 : i32
    %dma_wait3A_177 = tpu.memref_slice %arg2[%dma_wait3A_175, %dma_wait3A_176] : memref<10000x128xf32, #tpu.memory_space<hbm>> -> memref<64x128xf32, #tpu.memory_space<hbm>>
    tpu.wait_dma2 semaphore(%arg11 : memref<!tpu.dma_semaphore, #tpu.memory_space<semaphore_mem>>) src(%dma_wait3A_177 : memref<64x128xf32, #tpu.memory_space<hbm>>) dst(%arg7 : memref<64x128xf32, #tpu.memory_space<vmem>>)
    %dma_start3A_178 = arith.constant 1 : i32
    %dma_start3A_179 = arith.constant 3072 : i32
    %dma_start3A_180 = tpu.memref_slice %arg6[%dma_start3A_178, %dma_start3A_179] : memref<2x3328xi32, #tpu.memory_space<vmem>> -> memref<1x64xi32, #tpu.memory_space<vmem>>
    %dma_start3A_181 = tpu.memref_squeeze %dma_start3A_180 : memref<1x64xi32, #tpu.memory_space<vmem>> -> memref<64xi32, #tpu.memory_space<vmem>>
    %dma_start3A_182 = arith.constant 0 : i32
    %dma_start3A_183 = arith.constant 0 : i32
    %dma_start3A_184 = tpu.memref_slice %arg5[%dma_start3A_182, %dma_start3A_183] : memref<10240x128xf32, #tpu.memory_space<vmem_shared>> -> memref<10240x128xf32, #tpu.memory_space<vmem_shared>>
    tpu.enqueue_indirect_dma source(%arg7 : memref<64x128xf32, #tpu.memory_space<vmem>>) target(%dma_start3A_184 : memref<10240x128xf32, #tpu.memory_space<vmem_shared>>) offsets(%dma_start3A_181 : memref<64xi32, #tpu.memory_space<vmem>>) semaphore(%arg15 : memref<!tpu.dma_semaphore, #tpu.memory_space<semaphore_mem>>) {add = true}
    %dma_wait3A_185 = arith.constant 0 : i32
    %dma_wait3A_186 = arith.constant 0 : i32
    %dma_wait3A_187 = tpu.memref_slice %arg2[%dma_wait3A_185, %dma_wait3A_186] : memref<10000x128xf32, #tpu.memory_space<hbm>> -> memref<64x128xf32, #tpu.memory_space<hbm>>
    %dma_wait3A_188 = arith.constant 0 : i32
    %dma_wait3A_189 = arith.constant 0 : i32
    %dma_wait3A_190 = tpu.memref_slice %arg2[%dma_wait3A_188, %dma_wait3A_189] : memref<10000x128xf32, #tpu.memory_space<hbm>> -> memref<64x128xf32, #tpu.memory_space<hbm>>
    tpu.wait_dma2 semaphore(%arg12 : memref<!tpu.dma_semaphore, #tpu.memory_space<semaphore_mem>>) src(%dma_wait3A_190 : memref<64x128xf32, #tpu.memory_space<hbm>>) dst(%arg8 : memref<64x128xf32, #tpu.memory_space<vmem>>)
    %dma_start3A_191 = arith.constant 1 : i32
    %dma_start3A_192 = arith.constant 3136 : i32
    %dma_start3A_193 = tpu.memref_slice %arg6[%dma_start3A_191, %dma_start3A_192] : memref<2x3328xi32, #tpu.memory_space<vmem>> -> memref<1x64xi32, #tpu.memory_space<vmem>>
    %dma_start3A_194 = tpu.memref_squeeze %dma_start3A_193 : memref<1x64xi32, #tpu.memory_space<vmem>> -> memref<64xi32, #tpu.memory_space<vmem>>
    %dma_start3A_195 = arith.constant 0 : i32
    %dma_start3A_196 = arith.constant 0 : i32
    %dma_start3A_197 = tpu.memref_slice %arg5[%dma_start3A_195, %dma_start3A_196] : memref<10240x128xf32, #tpu.memory_space<vmem_shared>> -> memref<10240x128xf32, #tpu.memory_space<vmem_shared>>
    tpu.enqueue_indirect_dma source(%arg8 : memref<64x128xf32, #tpu.memory_space<vmem>>) target(%dma_start3A_197 : memref<10240x128xf32, #tpu.memory_space<vmem_shared>>) offsets(%dma_start3A_194 : memref<64xi32, #tpu.memory_space<vmem>>) semaphore(%arg16 : memref<!tpu.dma_semaphore, #tpu.memory_space<semaphore_mem>>) {add = true}
    %dma_wait3A_198 = arith.constant 0 : i32
    %dma_wait3A_199 = arith.constant 0 : i32
    %dma_wait3A_200 = tpu.memref_slice %arg2[%dma_wait3A_198, %dma_wait3A_199] : memref<10000x128xf32, #tpu.memory_space<hbm>> -> memref<64x128xf32, #tpu.memory_space<hbm>>
    %dma_wait3A_201 = arith.constant 0 : i32
    %dma_wait3A_202 = arith.constant 0 : i32
    %dma_wait3A_203 = tpu.memref_slice %arg2[%dma_wait3A_201, %dma_wait3A_202] : memref<10000x128xf32, #tpu.memory_space<hbm>> -> memref<64x128xf32, #tpu.memory_space<hbm>>
    tpu.wait_dma2 semaphore(%arg13 : memref<!tpu.dma_semaphore, #tpu.memory_space<semaphore_mem>>) src(%dma_wait3A_203 : memref<64x128xf32, #tpu.memory_space<hbm>>) dst(%arg9 : memref<64x128xf32, #tpu.memory_space<vmem>>)
    %dma_start3A_204 = arith.constant 1 : i32
    %dma_start3A_205 = arith.constant 3200 : i32
    %dma_start3A_206 = tpu.memref_slice %arg6[%dma_start3A_204, %dma_start3A_205] : memref<2x3328xi32, #tpu.memory_space<vmem>> -> memref<1x64xi32, #tpu.memory_space<vmem>>
    %dma_start3A_207 = tpu.memref_squeeze %dma_start3A_206 : memref<1x64xi32, #tpu.memory_space<vmem>> -> memref<64xi32, #tpu.memory_space<vmem>>
    %dma_start3A_208 = arith.constant 0 : i32
    %dma_start3A_209 = arith.constant 0 : i32
    %dma_start3A_210 = tpu.memref_slice %arg5[%dma_start3A_208, %dma_start3A_209] : memref<10240x128xf32, #tpu.memory_space<vmem_shared>> -> memref<10240x128xf32, #tpu.memory_space<vmem_shared>>
    tpu.enqueue_indirect_dma source(%arg9 : memref<64x128xf32, #tpu.memory_space<vmem>>) target(%dma_start3A_210 : memref<10240x128xf32, #tpu.memory_space<vmem_shared>>) offsets(%dma_start3A_207 : memref<64xi32, #tpu.memory_space<vmem>>) semaphore(%arg17 : memref<!tpu.dma_semaphore, #tpu.memory_space<semaphore_mem>>) {add = true}
    %dma_wait3A_211 = arith.constant 0 : i32
    %dma_wait3A_212 = arith.constant 0 : i32
    %dma_wait3A_213 = tpu.memref_slice %arg2[%dma_wait3A_211, %dma_wait3A_212] : memref<10000x128xf32, #tpu.memory_space<hbm>> -> memref<64x128xf32, #tpu.memory_space<hbm>>
    %dma_wait3A_214 = arith.constant 0 : i32
    %dma_wait3A_215 = arith.constant 0 : i32
    %dma_wait3A_216 = tpu.memref_slice %arg2[%dma_wait3A_214, %dma_wait3A_215] : memref<10000x128xf32, #tpu.memory_space<hbm>> -> memref<64x128xf32, #tpu.memory_space<hbm>>
    tpu.wait_dma2 semaphore(%arg14 : memref<!tpu.dma_semaphore, #tpu.memory_space<semaphore_mem>>) src(%dma_wait3A_216 : memref<64x128xf32, #tpu.memory_space<hbm>>) dst(%arg10 : memref<64x128xf32, #tpu.memory_space<vmem>>)
    %dma_start3A_217 = arith.constant 1 : i32
    %dma_start3A_218 = arith.constant 3264 : i32
    %dma_start3A_219 = tpu.memref_slice %arg6[%dma_start3A_217, %dma_start3A_218] : memref<2x3328xi32, #tpu.memory_space<vmem>> -> memref<1x64xi32, #tpu.memory_space<vmem>>
    %dma_start3A_220 = tpu.memref_squeeze %dma_start3A_219 : memref<1x64xi32, #tpu.memory_space<vmem>> -> memref<64xi32, #tpu.memory_space<vmem>>
    %dma_start3A_221 = arith.constant 0 : i32
    %dma_start3A_222 = arith.constant 0 : i32
    %dma_start3A_223 = tpu.memref_slice %arg5[%dma_start3A_221, %dma_start3A_222] : memref<10240x128xf32, #tpu.memory_space<vmem_shared>> -> memref<10240x128xf32, #tpu.memory_space<vmem_shared>>
    tpu.enqueue_indirect_dma source(%arg10 : memref<64x128xf32, #tpu.memory_space<vmem>>) target(%dma_start3A_223 : memref<10240x128xf32, #tpu.memory_space<vmem_shared>>) offsets(%dma_start3A_220 : memref<64xi32, #tpu.memory_space<vmem>>) semaphore(%arg18 : memref<!tpu.dma_semaphore, #tpu.memory_space<semaphore_mem>>) {add = true}
    %dma_wait3A_224 = arith.constant 0 : i32
    %dma_wait3A_225 = arith.constant 0 : i32
    %dma_wait3A_226 = tpu.memref_slice %arg2[%dma_wait3A_224, %dma_wait3A_225] : memref<10000x128xf32, #tpu.memory_space<hbm>> -> memref<64x128xf32, #tpu.memory_space<hbm>>
    %dma_wait3A_227 = arith.constant 0 : i32
    %dma_wait3A_228 = arith.constant 0 : i32
    %dma_wait3A_229 = tpu.memref_slice %arg2[%dma_wait3A_227, %dma_wait3A_228] : memref<10000x128xf32, #tpu.memory_space<hbm>> -> memref<64x128xf32, #tpu.memory_space<hbm>>
    tpu.wait_dma2 semaphore(%arg15 : memref<!tpu.dma_semaphore, #tpu.memory_space<semaphore_mem>>) src(%dma_wait3A_229 : memref<64x128xf32, #tpu.memory_space<hbm>>) dst(%arg7 : memref<64x128xf32, #tpu.memory_space<vmem>>)
    %dma_wait3A_230 = arith.constant 0 : i32
    %dma_wait3A_231 = arith.constant 0 : i32
    %dma_wait3A_232 = tpu.memref_slice %arg2[%dma_wait3A_230, %dma_wait3A_231] : memref<10000x128xf32, #tpu.memory_space<hbm>> -> memref<64x128xf32, #tpu.memory_space<hbm>>
    %dma_wait3A_233 = arith.constant 0 : i32
    %dma_wait3A_234 = arith.constant 0 : i32
    %dma_wait3A_235 = tpu.memref_slice %arg2[%dma_wait3A_233, %dma_wait3A_234] : memref<10000x128xf32, #tpu.memory_space<hbm>> -> memref<64x128xf32, #tpu.memory_space<hbm>>
    tpu.wait_dma2 semaphore(%arg16 : memref<!tpu.dma_semaphore, #tpu.memory_space<semaphore_mem>>) src(%dma_wait3A_235 : memref<64x128xf32, #tpu.memory_space<hbm>>) dst(%arg8 : memref<64x128xf32, #tpu.memory_space<vmem>>)
    %dma_wait3A_236 = arith.constant 0 : i32
    %dma_wait3A_237 = arith.constant 0 : i32
    %dma_wait3A_238 = tpu.memref_slice %arg2[%dma_wait3A_236, %dma_wait3A_237] : memref<10000x128xf32, #tpu.memory_space<hbm>> -> memref<64x128xf32, #tpu.memory_space<hbm>>
    %dma_wait3A_239 = arith.constant 0 : i32
    %dma_wait3A_240 = arith.constant 0 : i32
    %dma_wait3A_241 = tpu.memref_slice %arg2[%dma_wait3A_239, %dma_wait3A_240] : memref<10000x128xf32, #tpu.memory_space<hbm>> -> memref<64x128xf32, #tpu.memory_space<hbm>>
    tpu.wait_dma2 semaphore(%arg17 : memref<!tpu.dma_semaphore, #tpu.memory_space<semaphore_mem>>) src(%dma_wait3A_241 : memref<64x128xf32, #tpu.memory_space<hbm>>) dst(%arg9 : memref<64x128xf32, #tpu.memory_space<vmem>>)
    %dma_wait3A_242 = arith.constant 0 : i32
    %dma_wait3A_243 = arith.constant 0 : i32
    %dma_wait3A_244 = tpu.memref_slice %arg2[%dma_wait3A_242, %dma_wait3A_243] : memref<10000x128xf32, #tpu.memory_space<hbm>> -> memref<64x128xf32, #tpu.memory_space<hbm>>
    %dma_wait3A_245 = arith.constant 0 : i32
    %dma_wait3A_246 = arith.constant 0 : i32
    %dma_wait3A_247 = tpu.memref_slice %arg2[%dma_wait3A_245, %dma_wait3A_246] : memref<10000x128xf32, #tpu.memory_space<hbm>> -> memref<64x128xf32, #tpu.memory_space<hbm>>
    tpu.wait_dma2 semaphore(%arg18 : memref<!tpu.dma_semaphore, #tpu.memory_space<semaphore_mem>>) src(%dma_wait3A_247 : memref<64x128xf32, #tpu.memory_space<hbm>>) dst(%arg10 : memref<64x128xf32, #tpu.memory_space<vmem>>)
    %mul3A_248 = arith.constant 156 : i32
    %mul3A_249 = arith.muli %add3A, %mul3A_248 : i32
    %add3A_250 = arith.constant 52 : i32
    %add3A_251 = arith.addi %mul3A_249, %add3A_250 : i32
    %mul3A_252 = arith.constant 64 : i32
    %mul3A_253 = arith.muli %add3A_251, %mul3A_252 : i32
    "tpu.region"() ({
      %run_scoped3A = tpu.sem_alloc : memref<!tpu.dma_semaphore, #tpu.memory_space<semaphore_mem>>
      %dma_start3A_481 = arith.constant 0 : i32
      %dma_start3A_482 = tpu.memref_slice %arg3[%dma_start3A_481, %mul3A_253] : memref<2x320000xi32, #tpu.memory_space<hbm>> -> memref<2x3328xi32, #tpu.memory_space<hbm>>
      %dma_start3A_483 = arith.constant 0 : i32
      %dma_start3A_484 = tpu.memref_slice %arg3[%dma_start3A_483, %mul3A_253] : memref<2x320000xi32, #tpu.memory_space<hbm>> -> memref<2x3328xi32, #tpu.memory_space<hbm>>
      tpu.enqueue_dma source(%dma_start3A_484 : memref<2x3328xi32, #tpu.memory_space<hbm>>) target(%arg6 : memref<2x3328xi32, #tpu.memory_space<vmem>>) target_semaphore(%run_scoped3A : memref<!tpu.dma_semaphore, #tpu.memory_space<semaphore_mem>>)
      %dma_wait3A_485 = arith.constant 0 : i32
      %dma_wait3A_486 = tpu.memref_slice %arg3[%dma_wait3A_485, %mul3A_253] : memref<2x320000xi32, #tpu.memory_space<hbm>> -> memref<2x3328xi32, #tpu.memory_space<hbm>>
      %dma_wait3A_487 = arith.constant 0 : i32
      %dma_wait3A_488 = tpu.memref_slice %arg3[%dma_wait3A_487, %mul3A_253] : memref<2x320000xi32, #tpu.memory_space<hbm>> -> memref<2x3328xi32, #tpu.memory_space<hbm>>
      tpu.wait_dma2 semaphore(%run_scoped3A : memref<!tpu.dma_semaphore, #tpu.memory_space<semaphore_mem>>) src(%dma_wait3A_488 : memref<2x3328xi32, #tpu.memory_space<hbm>>) dst(%arg6 : memref<2x3328xi32, #tpu.memory_space<vmem>>)
      tpu.yield
    }) : () -> ()
    %dma_start3A_254 = arith.constant 0 : i32
    %dma_start3A_255 = arith.constant 0 : i32
    %dma_start3A_256 = tpu.memref_slice %arg6[%dma_start3A_254, %dma_start3A_255] : memref<2x3328xi32, #tpu.memory_space<vmem>> -> memref<1x64xi32, #tpu.memory_space<vmem>>
    %dma_start3A_257 = tpu.memref_squeeze %dma_start3A_256 : memref<1x64xi32, #tpu.memory_space<vmem>> -> memref<64xi32, #tpu.memory_space<vmem>>
    %dma_start3A_258 = arith.constant 0 : i32
    %dma_start3A_259 = arith.constant 0 : i32
    %dma_start3A_260 = tpu.memref_slice %arg2[%dma_start3A_258, %dma_start3A_259] : memref<10000x128xf32, #tpu.memory_space<hbm>> -> memref<10000x128xf32, #tpu.memory_space<hbm>>
    tpu.enqueue_indirect_dma source(%dma_start3A_260 : memref<10000x128xf32, #tpu.memory_space<hbm>>) target(%arg7 : memref<64x128xf32, #tpu.memory_space<vmem>>) offsets(%dma_start3A_257 : memref<64xi32, #tpu.memory_space<vmem>>) semaphore(%arg11 : memref<!tpu.dma_semaphore, #tpu.memory_space<semaphore_mem>>)
    %dma_start3A_261 = arith.constant 0 : i32
    %dma_start3A_262 = arith.constant 64 : i32
    %dma_start3A_263 = tpu.memref_slice %arg6[%dma_start3A_261, %dma_start3A_262] : memref<2x3328xi32, #tpu.memory_space<vmem>> -> memref<1x64xi32, #tpu.memory_space<vmem>>
    %dma_start3A_264 = tpu.memref_squeeze %dma_start3A_263 : memref<1x64xi32, #tpu.memory_space<vmem>> -> memref<64xi32, #tpu.memory_space<vmem>>
    %dma_start3A_265 = arith.constant 0 : i32
    %dma_start3A_266 = arith.constant 0 : i32
    %dma_start3A_267 = tpu.memref_slice %arg2[%dma_start3A_265, %dma_start3A_266] : memref<10000x128xf32, #tpu.memory_space<hbm>> -> memref<10000x128xf32, #tpu.memory_space<hbm>>
    tpu.enqueue_indirect_dma source(%dma_start3A_267 : memref<10000x128xf32, #tpu.memory_space<hbm>>) target(%arg8 : memref<64x128xf32, #tpu.memory_space<vmem>>) offsets(%dma_start3A_264 : memref<64xi32, #tpu.memory_space<vmem>>) semaphore(%arg12 : memref<!tpu.dma_semaphore, #tpu.memory_space<semaphore_mem>>)
    %dma_start3A_268 = arith.constant 0 : i32
    %dma_start3A_269 = arith.constant 128 : i32
    %dma_start3A_270 = tpu.memref_slice %arg6[%dma_start3A_268, %dma_start3A_269] : memref<2x3328xi32, #tpu.memory_space<vmem>> -> memref<1x64xi32, #tpu.memory_space<vmem>>
    %dma_start3A_271 = tpu.memref_squeeze %dma_start3A_270 : memref<1x64xi32, #tpu.memory_space<vmem>> -> memref<64xi32, #tpu.memory_space<vmem>>
    %dma_start3A_272 = arith.constant 0 : i32
    %dma_start3A_273 = arith.constant 0 : i32
    %dma_start3A_274 = tpu.memref_slice %arg2[%dma_start3A_272, %dma_start3A_273] : memref<10000x128xf32, #tpu.memory_space<hbm>> -> memref<10000x128xf32, #tpu.memory_space<hbm>>
    tpu.enqueue_indirect_dma source(%dma_start3A_274 : memref<10000x128xf32, #tpu.memory_space<hbm>>) target(%arg9 : memref<64x128xf32, #tpu.memory_space<vmem>>) offsets(%dma_start3A_271 : memref<64xi32, #tpu.memory_space<vmem>>) semaphore(%arg13 : memref<!tpu.dma_semaphore, #tpu.memory_space<semaphore_mem>>)
    %dma_start3A_275 = arith.constant 0 : i32
    %dma_start3A_276 = arith.constant 192 : i32
    %dma_start3A_277 = tpu.memref_slice %arg6[%dma_start3A_275, %dma_start3A_276] : memref<2x3328xi32, #tpu.memory_space<vmem>> -> memref<1x64xi32, #tpu.memory_space<vmem>>
    %dma_start3A_278 = tpu.memref_squeeze %dma_start3A_277 : memref<1x64xi32, #tpu.memory_space<vmem>> -> memref<64xi32, #tpu.memory_space<vmem>>
    %dma_start3A_279 = arith.constant 0 : i32
    %dma_start3A_280 = arith.constant 0 : i32
    %dma_start3A_281 = tpu.memref_slice %arg2[%dma_start3A_279, %dma_start3A_280] : memref<10000x128xf32, #tpu.memory_space<hbm>> -> memref<10000x128xf32, #tpu.memory_space<hbm>>
    tpu.enqueue_indirect_dma source(%dma_start3A_281 : memref<10000x128xf32, #tpu.memory_space<hbm>>) target(%arg10 : memref<64x128xf32, #tpu.memory_space<vmem>>) offsets(%dma_start3A_278 : memref<64xi32, #tpu.memory_space<vmem>>) semaphore(%arg14 : memref<!tpu.dma_semaphore, #tpu.memory_space<semaphore_mem>>)
    %scan3A_282 = arith.constant 0 : i32
    %scan3A_283 = arith.constant 12 : i32
    %scan3A_284 = arith.addi %scan3A_282, %scan3A_283 : i32
    %scan3A_285 = arith.constant 1 : i32
    scf.for %scan3A_481 = %scan3A_282 to %scan3A_284 step %scan3A_285  : i32 {
      %mul3A_482 = arith.constant 4 : i32
      %mul3A_483 = arith.muli %scan3A_481, %mul3A_482 : i32
      %add3A_484 = arith.constant 0 : i32
      %add3A_485 = arith.addi %add3A_484, %mul3A_483 : i32
      %dma_wait3A_486 = arith.constant 0 : i32
      %dma_wait3A_487 = arith.constant 0 : i32
      %dma_wait3A_488 = tpu.memref_slice %arg2[%dma_wait3A_486, %dma_wait3A_487] : memref<10000x128xf32, #tpu.memory_space<hbm>> -> memref<64x128xf32, #tpu.memory_space<hbm>>
      %dma_wait3A_489 = arith.constant 0 : i32
      %dma_wait3A_490 = arith.constant 0 : i32
      %dma_wait3A_491 = tpu.memref_slice %arg2[%dma_wait3A_489, %dma_wait3A_490] : memref<10000x128xf32, #tpu.memory_space<hbm>> -> memref<64x128xf32, #tpu.memory_space<hbm>>
      tpu.wait_dma2 semaphore(%arg11 : memref<!tpu.dma_semaphore, #tpu.memory_space<semaphore_mem>>) src(%dma_wait3A_491 : memref<64x128xf32, #tpu.memory_space<hbm>>) dst(%arg7 : memref<64x128xf32, #tpu.memory_space<vmem>>)
      %mul3A_492 = arith.constant 64 : i32
      %mul3A_493 = arith.muli %add3A_485, %mul3A_492 : i32
      %dma_start3A_494 = arith.constant 1 : i32
      %dma_start3A_495 = tpu.memref_slice %arg6[%dma_start3A_494, %mul3A_493] : memref<2x3328xi32, #tpu.memory_space<vmem>> -> memref<1x64xi32, #tpu.memory_space<vmem>>
      %dma_start3A_496 = tpu.memref_squeeze %dma_start3A_495 : memref<1x64xi32, #tpu.memory_space<vmem>> -> memref<64xi32, #tpu.memory_space<vmem>>
      %dma_start3A_497 = arith.constant 0 : i32
      %dma_start3A_498 = arith.constant 0 : i32
      %dma_start3A_499 = tpu.memref_slice %arg5[%dma_start3A_497, %dma_start3A_498] : memref<10240x128xf32, #tpu.memory_space<vmem_shared>> -> memref<10240x128xf32, #tpu.memory_space<vmem_shared>>
      tpu.enqueue_indirect_dma source(%arg7 : memref<64x128xf32, #tpu.memory_space<vmem>>) target(%dma_start3A_499 : memref<10240x128xf32, #tpu.memory_space<vmem_shared>>) offsets(%dma_start3A_496 : memref<64xi32, #tpu.memory_space<vmem>>) semaphore(%arg15 : memref<!tpu.dma_semaphore, #tpu.memory_space<semaphore_mem>>) {add = true}
      %dma_wait3A_500 = arith.constant 0 : i32
      %dma_wait3A_501 = arith.constant 0 : i32
      %dma_wait3A_502 = tpu.memref_slice %arg2[%dma_wait3A_500, %dma_wait3A_501] : memref<10000x128xf32, #tpu.memory_space<hbm>> -> memref<64x128xf32, #tpu.memory_space<hbm>>
      %dma_wait3A_503 = arith.constant 0 : i32
      %dma_wait3A_504 = arith.constant 0 : i32
      %dma_wait3A_505 = tpu.memref_slice %arg2[%dma_wait3A_503, %dma_wait3A_504] : memref<10000x128xf32, #tpu.memory_space<hbm>> -> memref<64x128xf32, #tpu.memory_space<hbm>>
      tpu.wait_dma2 semaphore(%arg12 : memref<!tpu.dma_semaphore, #tpu.memory_space<semaphore_mem>>) src(%dma_wait3A_505 : memref<64x128xf32, #tpu.memory_space<hbm>>) dst(%arg8 : memref<64x128xf32, #tpu.memory_space<vmem>>)
      %add3A_506 = arith.constant 1 : i32
      %add3A_507 = arith.addi %add3A_485, %add3A_506 : i32
      %mul3A_508 = arith.constant 64 : i32
      %mul3A_509 = arith.muli %add3A_507, %mul3A_508 : i32
      %dma_start3A_510 = arith.constant 1 : i32
      %dma_start3A_511 = tpu.memref_slice %arg6[%dma_start3A_510, %mul3A_509] : memref<2x3328xi32, #tpu.memory_space<vmem>> -> memref<1x64xi32, #tpu.memory_space<vmem>>
      %dma_start3A_512 = tpu.memref_squeeze %dma_start3A_511 : memref<1x64xi32, #tpu.memory_space<vmem>> -> memref<64xi32, #tpu.memory_space<vmem>>
      %dma_start3A_513 = arith.constant 0 : i32
      %dma_start3A_514 = arith.constant 0 : i32
      %dma_start3A_515 = tpu.memref_slice %arg5[%dma_start3A_513, %dma_start3A_514] : memref<10240x128xf32, #tpu.memory_space<vmem_shared>> -> memref<10240x128xf32, #tpu.memory_space<vmem_shared>>
      tpu.enqueue_indirect_dma source(%arg8 : memref<64x128xf32, #tpu.memory_space<vmem>>) target(%dma_start3A_515 : memref<10240x128xf32, #tpu.memory_space<vmem_shared>>) offsets(%dma_start3A_512 : memref<64xi32, #tpu.memory_space<vmem>>) semaphore(%arg16 : memref<!tpu.dma_semaphore, #tpu.memory_space<semaphore_mem>>) {add = true}
      %dma_wait3A_516 = arith.constant 0 : i32
      %dma_wait3A_517 = arith.constant 0 : i32
      %dma_wait3A_518 = tpu.memref_slice %arg2[%dma_wait3A_516, %dma_wait3A_517] : memref<10000x128xf32, #tpu.memory_space<hbm>> -> memref<64x128xf32, #tpu.memory_space<hbm>>
      %dma_wait3A_519 = arith.constant 0 : i32
      %dma_wait3A_520 = arith.constant 0 : i32
      %dma_wait3A_521 = tpu.memref_slice %arg2[%dma_wait3A_519, %dma_wait3A_520] : memref<10000x128xf32, #tpu.memory_space<hbm>> -> memref<64x128xf32, #tpu.memory_space<hbm>>
      tpu.wait_dma2 semaphore(%arg15 : memref<!tpu.dma_semaphore, #tpu.memory_space<semaphore_mem>>) src(%dma_wait3A_521 : memref<64x128xf32, #tpu.memory_space<hbm>>) dst(%arg7 : memref<64x128xf32, #tpu.memory_space<vmem>>)
      %add3A_522 = arith.constant 4 : i32
      %add3A_523 = arith.addi %add3A_485, %add3A_522 : i32
      %mul3A_524 = arith.constant 64 : i32
      %mul3A_525 = arith.muli %add3A_523, %mul3A_524 : i32
      %dma_start3A_526 = arith.constant 0 : i32
      %dma_start3A_527 = tpu.memref_slice %arg6[%dma_start3A_526, %mul3A_525] : memref<2x3328xi32, #tpu.memory_space<vmem>> -> memref<1x64xi32, #tpu.memory_space<vmem>>
      %dma_start3A_528 = tpu.memref_squeeze %dma_start3A_527 : memref<1x64xi32, #tpu.memory_space<vmem>> -> memref<64xi32, #tpu.memory_space<vmem>>
      %dma_start3A_529 = arith.constant 0 : i32
      %dma_start3A_530 = arith.constant 0 : i32
      %dma_start3A_531 = tpu.memref_slice %arg2[%dma_start3A_529, %dma_start3A_530] : memref<10000x128xf32, #tpu.memory_space<hbm>> -> memref<10000x128xf32, #tpu.memory_space<hbm>>
      tpu.enqueue_indirect_dma source(%dma_start3A_531 : memref<10000x128xf32, #tpu.memory_space<hbm>>) target(%arg7 : memref<64x128xf32, #tpu.memory_space<vmem>>) offsets(%dma_start3A_528 : memref<64xi32, #tpu.memory_space<vmem>>) semaphore(%arg11 : memref<!tpu.dma_semaphore, #tpu.memory_space<semaphore_mem>>)
      %dma_wait3A_532 = arith.constant 0 : i32
      %dma_wait3A_533 = arith.constant 0 : i32
      %dma_wait3A_534 = tpu.memref_slice %arg2[%dma_wait3A_532, %dma_wait3A_533] : memref<10000x128xf32, #tpu.memory_space<hbm>> -> memref<64x128xf32, #tpu.memory_space<hbm>>
      %dma_wait3A_535 = arith.constant 0 : i32
      %dma_wait3A_536 = arith.constant 0 : i32
      %dma_wait3A_537 = tpu.memref_slice %arg2[%dma_wait3A_535, %dma_wait3A_536] : memref<10000x128xf32, #tpu.memory_space<hbm>> -> memref<64x128xf32, #tpu.memory_space<hbm>>
      tpu.wait_dma2 semaphore(%arg13 : memref<!tpu.dma_semaphore, #tpu.memory_space<semaphore_mem>>) src(%dma_wait3A_537 : memref<64x128xf32, #tpu.memory_space<hbm>>) dst(%arg9 : memref<64x128xf32, #tpu.memory_space<vmem>>)
      %add3A_538 = arith.constant 2 : i32
      %add3A_539 = arith.addi %add3A_485, %add3A_538 : i32
      %mul3A_540 = arith.constant 64 : i32
      %mul3A_541 = arith.muli %add3A_539, %mul3A_540 : i32
      %dma_start3A_542 = arith.constant 1 : i32
      %dma_start3A_543 = tpu.memref_slice %arg6[%dma_start3A_542, %mul3A_541] : memref<2x3328xi32, #tpu.memory_space<vmem>> -> memref<1x64xi32, #tpu.memory_space<vmem>>
      %dma_start3A_544 = tpu.memref_squeeze %dma_start3A_543 : memref<1x64xi32, #tpu.memory_space<vmem>> -> memref<64xi32, #tpu.memory_space<vmem>>
      %dma_start3A_545 = arith.constant 0 : i32
      %dma_start3A_546 = arith.constant 0 : i32
      %dma_start3A_547 = tpu.memref_slice %arg5[%dma_start3A_545, %dma_start3A_546] : memref<10240x128xf32, #tpu.memory_space<vmem_shared>> -> memref<10240x128xf32, #tpu.memory_space<vmem_shared>>
      tpu.enqueue_indirect_dma source(%arg9 : memref<64x128xf32, #tpu.memory_space<vmem>>) target(%dma_start3A_547 : memref<10240x128xf32, #tpu.memory_space<vmem_shared>>) offsets(%dma_start3A_544 : memref<64xi32, #tpu.memory_space<vmem>>) semaphore(%arg17 : memref<!tpu.dma_semaphore, #tpu.memory_space<semaphore_mem>>) {add = true}
      %dma_wait3A_548 = arith.constant 0 : i32
      %dma_wait3A_549 = arith.constant 0 : i32
      %dma_wait3A_550 = tpu.memref_slice %arg2[%dma_wait3A_548, %dma_wait3A_549] : memref<10000x128xf32, #tpu.memory_space<hbm>> -> memref<64x128xf32, #tpu.memory_space<hbm>>
      %dma_wait3A_551 = arith.constant 0 : i32
      %dma_wait3A_552 = arith.constant 0 : i32
      %dma_wait3A_553 = tpu.memref_slice %arg2[%dma_wait3A_551, %dma_wait3A_552] : memref<10000x128xf32, #tpu.memory_space<hbm>> -> memref<64x128xf32, #tpu.memory_space<hbm>>
      tpu.wait_dma2 semaphore(%arg16 : memref<!tpu.dma_semaphore, #tpu.memory_space<semaphore_mem>>) src(%dma_wait3A_553 : memref<64x128xf32, #tpu.memory_space<hbm>>) dst(%arg8 : memref<64x128xf32, #tpu.memory_space<vmem>>)
      %add3A_554 = arith.constant 4 : i32
      %add3A_555 = arith.addi %add3A_485, %add3A_554 : i32
      %add3A_556 = arith.constant 1 : i32
      %add3A_557 = arith.addi %add3A_555, %add3A_556 : i32
      %mul3A_558 = arith.constant 64 : i32
      %mul3A_559 = arith.muli %add3A_557, %mul3A_558 : i32
      %dma_start3A_560 = arith.constant 0 : i32
      %dma_start3A_561 = tpu.memref_slice %arg6[%dma_start3A_560, %mul3A_559] : memref<2x3328xi32, #tpu.memory_space<vmem>> -> memref<1x64xi32, #tpu.memory_space<vmem>>
      %dma_start3A_562 = tpu.memref_squeeze %dma_start3A_561 : memref<1x64xi32, #tpu.memory_space<vmem>> -> memref<64xi32, #tpu.memory_space<vmem>>
      %dma_start3A_563 = arith.constant 0 : i32
      %dma_start3A_564 = arith.constant 0 : i32
      %dma_start3A_565 = tpu.memref_slice %arg2[%dma_start3A_563, %dma_start3A_564] : memref<10000x128xf32, #tpu.memory_space<hbm>> -> memref<10000x128xf32, #tpu.memory_space<hbm>>
      tpu.enqueue_indirect_dma source(%dma_start3A_565 : memref<10000x128xf32, #tpu.memory_space<hbm>>) target(%arg8 : memref<64x128xf32, #tpu.memory_space<vmem>>) offsets(%dma_start3A_562 : memref<64xi32, #tpu.memory_space<vmem>>) semaphore(%arg12 : memref<!tpu.dma_semaphore, #tpu.memory_space<semaphore_mem>>)
      %dma_wait3A_566 = arith.constant 0 : i32
      %dma_wait3A_567 = arith.constant 0 : i32
      %dma_wait3A_568 = tpu.memref_slice %arg2[%dma_wait3A_566, %dma_wait3A_567] : memref<10000x128xf32, #tpu.memory_space<hbm>> -> memref<64x128xf32, #tpu.memory_space<hbm>>
      %dma_wait3A_569 = arith.constant 0 : i32
      %dma_wait3A_570 = arith.constant 0 : i32
      %dma_wait3A_571 = tpu.memref_slice %arg2[%dma_wait3A_569, %dma_wait3A_570] : memref<10000x128xf32, #tpu.memory_space<hbm>> -> memref<64x128xf32, #tpu.memory_space<hbm>>
      tpu.wait_dma2 semaphore(%arg14 : memref<!tpu.dma_semaphore, #tpu.memory_space<semaphore_mem>>) src(%dma_wait3A_571 : memref<64x128xf32, #tpu.memory_space<hbm>>) dst(%arg10 : memref<64x128xf32, #tpu.memory_space<vmem>>)
      %add3A_572 = arith.constant 3 : i32
      %add3A_573 = arith.addi %add3A_485, %add3A_572 : i32
      %mul3A_574 = arith.constant 64 : i32
      %mul3A_575 = arith.muli %add3A_573, %mul3A_574 : i32
      %dma_start3A_576 = arith.constant 1 : i32
      %dma_start3A_577 = tpu.memref_slice %arg6[%dma_start3A_576, %mul3A_575] : memref<2x3328xi32, #tpu.memory_space<vmem>> -> memref<1x64xi32, #tpu.memory_space<vmem>>
      %dma_start3A_578 = tpu.memref_squeeze %dma_start3A_577 : memref<1x64xi32, #tpu.memory_space<vmem>> -> memref<64xi32, #tpu.memory_space<vmem>>
      %dma_start3A_579 = arith.constant 0 : i32
      %dma_start3A_580 = arith.constant 0 : i32
      %dma_start3A_581 = tpu.memref_slice %arg5[%dma_start3A_579, %dma_start3A_580] : memref<10240x128xf32, #tpu.memory_space<vmem_shared>> -> memref<10240x128xf32, #tpu.memory_space<vmem_shared>>
      tpu.enqueue_indirect_dma source(%arg10 : memref<64x128xf32, #tpu.memory_space<vmem>>) target(%dma_start3A_581 : memref<10240x128xf32, #tpu.memory_space<vmem_shared>>) offsets(%dma_start3A_578 : memref<64xi32, #tpu.memory_space<vmem>>) semaphore(%arg18 : memref<!tpu.dma_semaphore, #tpu.memory_space<semaphore_mem>>) {add = true}
      %dma_wait3A_582 = arith.constant 0 : i32
      %dma_wait3A_583 = arith.constant 0 : i32
      %dma_wait3A_584 = tpu.memref_slice %arg2[%dma_wait3A_582, %dma_wait3A_583] : memref<10000x128xf32, #tpu.memory_space<hbm>> -> memref<64x128xf32, #tpu.memory_space<hbm>>
      %dma_wait3A_585 = arith.constant 0 : i32
      %dma_wait3A_586 = arith.constant 0 : i32
      %dma_wait3A_587 = tpu.memref_slice %arg2[%dma_wait3A_585, %dma_wait3A_586] : memref<10000x128xf32, #tpu.memory_space<hbm>> -> memref<64x128xf32, #tpu.memory_space<hbm>>
      tpu.wait_dma2 semaphore(%arg17 : memref<!tpu.dma_semaphore, #tpu.memory_space<semaphore_mem>>) src(%dma_wait3A_587 : memref<64x128xf32, #tpu.memory_space<hbm>>) dst(%arg9 : memref<64x128xf32, #tpu.memory_space<vmem>>)
      %add3A_588 = arith.constant 4 : i32
      %add3A_589 = arith.addi %add3A_485, %add3A_588 : i32
      %add3A_590 = arith.constant 2 : i32
      %add3A_591 = arith.addi %add3A_589, %add3A_590 : i32
      %mul3A_592 = arith.constant 64 : i32
      %mul3A_593 = arith.muli %add3A_591, %mul3A_592 : i32
      %dma_start3A_594 = arith.constant 0 : i32
      %dma_start3A_595 = tpu.memref_slice %arg6[%dma_start3A_594, %mul3A_593] : memref<2x3328xi32, #tpu.memory_space<vmem>> -> memref<1x64xi32, #tpu.memory_space<vmem>>
      %dma_start3A_596 = tpu.memref_squeeze %dma_start3A_595 : memref<1x64xi32, #tpu.memory_space<vmem>> -> memref<64xi32, #tpu.memory_space<vmem>>
      %dma_start3A_597 = arith.constant 0 : i32
      %dma_start3A_598 = arith.constant 0 : i32
      %dma_start3A_599 = tpu.memref_slice %arg2[%dma_start3A_597, %dma_start3A_598] : memref<10000x128xf32, #tpu.memory_space<hbm>> -> memref<10000x128xf32, #tpu.memory_space<hbm>>
      tpu.enqueue_indirect_dma source(%dma_start3A_599 : memref<10000x128xf32, #tpu.memory_space<hbm>>) target(%arg9 : memref<64x128xf32, #tpu.memory_space<vmem>>) offsets(%dma_start3A_596 : memref<64xi32, #tpu.memory_space<vmem>>) semaphore(%arg13 : memref<!tpu.dma_semaphore, #tpu.memory_space<semaphore_mem>>)
      %dma_wait3A_600 = arith.constant 0 : i32
      %dma_wait3A_601 = arith.constant 0 : i32
      %dma_wait3A_602 = tpu.memref_slice %arg2[%dma_wait3A_600, %dma_wait3A_601] : memref<10000x128xf32, #tpu.memory_space<hbm>> -> memref<64x128xf32, #tpu.memory_space<hbm>>
      %dma_wait3A_603 = arith.constant 0 : i32
      %dma_wait3A_604 = arith.constant 0 : i32
      %dma_wait3A_605 = tpu.memref_slice %arg2[%dma_wait3A_603, %dma_wait3A_604] : memref<10000x128xf32, #tpu.memory_space<hbm>> -> memref<64x128xf32, #tpu.memory_space<hbm>>
      tpu.wait_dma2 semaphore(%arg18 : memref<!tpu.dma_semaphore, #tpu.memory_space<semaphore_mem>>) src(%dma_wait3A_605 : memref<64x128xf32, #tpu.memory_space<hbm>>) dst(%arg10 : memref<64x128xf32, #tpu.memory_space<vmem>>)
      %add3A_606 = arith.constant 4 : i32
      %add3A_607 = arith.addi %add3A_485, %add3A_606 : i32
      %add3A_608 = arith.constant 3 : i32
      %add3A_609 = arith.addi %add3A_607, %add3A_608 : i32
      %mul3A_610 = arith.constant 64 : i32
      %mul3A_611 = arith.muli %add3A_609, %mul3A_610 : i32
      %dma_start3A_612 = arith.constant 0 : i32
      %dma_start3A_613 = tpu.memref_slice %arg6[%dma_start3A_612, %mul3A_611] : memref<2x3328xi32, #tpu.memory_space<vmem>> -> memref<1x64xi32, #tpu.memory_space<vmem>>
      %dma_start3A_614 = tpu.memref_squeeze %dma_start3A_613 : memref<1x64xi32, #tpu.memory_space<vmem>> -> memref<64xi32, #tpu.memory_space<vmem>>
      %dma_start3A_615 = arith.constant 0 : i32
      %dma_start3A_616 = arith.constant 0 : i32
      %dma_start3A_617 = tpu.memref_slice %arg2[%dma_start3A_615, %dma_start3A_616] : memref<10000x128xf32, #tpu.memory_space<hbm>> -> memref<10000x128xf32, #tpu.memory_space<hbm>>
      tpu.enqueue_indirect_dma source(%dma_start3A_617 : memref<10000x128xf32, #tpu.memory_space<hbm>>) target(%arg10 : memref<64x128xf32, #tpu.memory_space<vmem>>) offsets(%dma_start3A_614 : memref<64xi32, #tpu.memory_space<vmem>>) semaphore(%arg14 : memref<!tpu.dma_semaphore, #tpu.memory_space<semaphore_mem>>)
    }
    %scan3A_286 = arith.constant 12 : i32
    %dma_wait3A_287 = arith.constant 0 : i32
    %dma_wait3A_288 = arith.constant 0 : i32
    %dma_wait3A_289 = tpu.memref_slice %arg2[%dma_wait3A_287, %dma_wait3A_288] : memref<10000x128xf32, #tpu.memory_space<hbm>> -> memref<64x128xf32, #tpu.memory_space<hbm>>
    %dma_wait3A_290 = arith.constant 0 : i32
    %dma_wait3A_291 = arith.constant 0 : i32
    %dma_wait3A_292 = tpu.memref_slice %arg2[%dma_wait3A_290, %dma_wait3A_291] : memref<10000x128xf32, #tpu.memory_space<hbm>> -> memref<64x128xf32, #tpu.memory_space<hbm>>
    tpu.wait_dma2 semaphore(%arg11 : memref<!tpu.dma_semaphore, #tpu.memory_space<semaphore_mem>>) src(%dma_wait3A_292 : memref<64x128xf32, #tpu.memory_space<hbm>>) dst(%arg7 : memref<64x128xf32, #tpu.memory_space<vmem>>)
    %dma_start3A_293 = arith.constant 1 : i32
    %dma_start3A_294 = arith.constant 3072 : i32
    %dma_start3A_295 = tpu.memref_slice %arg6[%dma_start3A_293, %dma_start3A_294] : memref<2x3328xi32, #tpu.memory_space<vmem>> -> memref<1x64xi32, #tpu.memory_space<vmem>>
    %dma_start3A_296 = tpu.memref_squeeze %dma_start3A_295 : memref<1x64xi32, #tpu.memory_space<vmem>> -> memref<64xi32, #tpu.memory_space<vmem>>
    %dma_start3A_297 = arith.constant 0 : i32
    %dma_start3A_298 = arith.constant 0 : i32
    %dma_start3A_299 = tpu.memref_slice %arg5[%dma_start3A_297, %dma_start3A_298] : memref<10240x128xf32, #tpu.memory_space<vmem_shared>> -> memref<10240x128xf32, #tpu.memory_space<vmem_shared>>
    tpu.enqueue_indirect_dma source(%arg7 : memref<64x128xf32, #tpu.memory_space<vmem>>) target(%dma_start3A_299 : memref<10240x128xf32, #tpu.memory_space<vmem_shared>>) offsets(%dma_start3A_296 : memref<64xi32, #tpu.memory_space<vmem>>) semaphore(%arg15 : memref<!tpu.dma_semaphore, #tpu.memory_space<semaphore_mem>>) {add = true}
    %dma_wait3A_300 = arith.constant 0 : i32
    %dma_wait3A_301 = arith.constant 0 : i32
    %dma_wait3A_302 = tpu.memref_slice %arg2[%dma_wait3A_300, %dma_wait3A_301] : memref<10000x128xf32, #tpu.memory_space<hbm>> -> memref<64x128xf32, #tpu.memory_space<hbm>>
    %dma_wait3A_303 = arith.constant 0 : i32
    %dma_wait3A_304 = arith.constant 0 : i32
    %dma_wait3A_305 = tpu.memref_slice %arg2[%dma_wait3A_303, %dma_wait3A_304] : memref<10000x128xf32, #tpu.memory_space<hbm>> -> memref<64x128xf32, #tpu.memory_space<hbm>>
    tpu.wait_dma2 semaphore(%arg12 : memref<!tpu.dma_semaphore, #tpu.memory_space<semaphore_mem>>) src(%dma_wait3A_305 : memref<64x128xf32, #tpu.memory_space<hbm>>) dst(%arg8 : memref<64x128xf32, #tpu.memory_space<vmem>>)
    %dma_start3A_306 = arith.constant 1 : i32
    %dma_start3A_307 = arith.constant 3136 : i32
    %dma_start3A_308 = tpu.memref_slice %arg6[%dma_start3A_306, %dma_start3A_307] : memref<2x3328xi32, #tpu.memory_space<vmem>> -> memref<1x64xi32, #tpu.memory_space<vmem>>
    %dma_start3A_309 = tpu.memref_squeeze %dma_start3A_308 : memref<1x64xi32, #tpu.memory_space<vmem>> -> memref<64xi32, #tpu.memory_space<vmem>>
    %dma_start3A_310 = arith.constant 0 : i32
    %dma_start3A_311 = arith.constant 0 : i32
    %dma_start3A_312 = tpu.memref_slice %arg5[%dma_start3A_310, %dma_start3A_311] : memref<10240x128xf32, #tpu.memory_space<vmem_shared>> -> memref<10240x128xf32, #tpu.memory_space<vmem_shared>>
    tpu.enqueue_indirect_dma source(%arg8 : memref<64x128xf32, #tpu.memory_space<vmem>>) target(%dma_start3A_312 : memref<10240x128xf32, #tpu.memory_space<vmem_shared>>) offsets(%dma_start3A_309 : memref<64xi32, #tpu.memory_space<vmem>>) semaphore(%arg16 : memref<!tpu.dma_semaphore, #tpu.memory_space<semaphore_mem>>) {add = true}
    %dma_wait3A_313 = arith.constant 0 : i32
    %dma_wait3A_314 = arith.constant 0 : i32
    %dma_wait3A_315 = tpu.memref_slice %arg2[%dma_wait3A_313, %dma_wait3A_314] : memref<10000x128xf32, #tpu.memory_space<hbm>> -> memref<64x128xf32, #tpu.memory_space<hbm>>
    %dma_wait3A_316 = arith.constant 0 : i32
    %dma_wait3A_317 = arith.constant 0 : i32
    %dma_wait3A_318 = tpu.memref_slice %arg2[%dma_wait3A_316, %dma_wait3A_317] : memref<10000x128xf32, #tpu.memory_space<hbm>> -> memref<64x128xf32, #tpu.memory_space<hbm>>
    tpu.wait_dma2 semaphore(%arg13 : memref<!tpu.dma_semaphore, #tpu.memory_space<semaphore_mem>>) src(%dma_wait3A_318 : memref<64x128xf32, #tpu.memory_space<hbm>>) dst(%arg9 : memref<64x128xf32, #tpu.memory_space<vmem>>)
    %dma_start3A_319 = arith.constant 1 : i32
    %dma_start3A_320 = arith.constant 3200 : i32
    %dma_start3A_321 = tpu.memref_slice %arg6[%dma_start3A_319, %dma_start3A_320] : memref<2x3328xi32, #tpu.memory_space<vmem>> -> memref<1x64xi32, #tpu.memory_space<vmem>>
    %dma_start3A_322 = tpu.memref_squeeze %dma_start3A_321 : memref<1x64xi32, #tpu.memory_space<vmem>> -> memref<64xi32, #tpu.memory_space<vmem>>
    %dma_start3A_323 = arith.constant 0 : i32
    %dma_start3A_324 = arith.constant 0 : i32
    %dma_start3A_325 = tpu.memref_slice %arg5[%dma_start3A_323, %dma_start3A_324] : memref<10240x128xf32, #tpu.memory_space<vmem_shared>> -> memref<10240x128xf32, #tpu.memory_space<vmem_shared>>
    tpu.enqueue_indirect_dma source(%arg9 : memref<64x128xf32, #tpu.memory_space<vmem>>) target(%dma_start3A_325 : memref<10240x128xf32, #tpu.memory_space<vmem_shared>>) offsets(%dma_start3A_322 : memref<64xi32, #tpu.memory_space<vmem>>) semaphore(%arg17 : memref<!tpu.dma_semaphore, #tpu.memory_space<semaphore_mem>>) {add = true}
    %dma_wait3A_326 = arith.constant 0 : i32
    %dma_wait3A_327 = arith.constant 0 : i32
    %dma_wait3A_328 = tpu.memref_slice %arg2[%dma_wait3A_326, %dma_wait3A_327] : memref<10000x128xf32, #tpu.memory_space<hbm>> -> memref<64x128xf32, #tpu.memory_space<hbm>>
    %dma_wait3A_329 = arith.constant 0 : i32
    %dma_wait3A_330 = arith.constant 0 : i32
    %dma_wait3A_331 = tpu.memref_slice %arg2[%dma_wait3A_329, %dma_wait3A_330] : memref<10000x128xf32, #tpu.memory_space<hbm>> -> memref<64x128xf32, #tpu.memory_space<hbm>>
    tpu.wait_dma2 semaphore(%arg14 : memref<!tpu.dma_semaphore, #tpu.memory_space<semaphore_mem>>) src(%dma_wait3A_331 : memref<64x128xf32, #tpu.memory_space<hbm>>) dst(%arg10 : memref<64x128xf32, #tpu.memory_space<vmem>>)
    %dma_start3A_332 = arith.constant 1 : i32
    %dma_start3A_333 = arith.constant 3264 : i32
    %dma_start3A_334 = tpu.memref_slice %arg6[%dma_start3A_332, %dma_start3A_333] : memref<2x3328xi32, #tpu.memory_space<vmem>> -> memref<1x64xi32, #tpu.memory_space<vmem>>
    %dma_start3A_335 = tpu.memref_squeeze %dma_start3A_334 : memref<1x64xi32, #tpu.memory_space<vmem>> -> memref<64xi32, #tpu.memory_space<vmem>>
    %dma_start3A_336 = arith.constant 0 : i32
    %dma_start3A_337 = arith.constant 0 : i32
    %dma_start3A_338 = tpu.memref_slice %arg5[%dma_start3A_336, %dma_start3A_337] : memref<10240x128xf32, #tpu.memory_space<vmem_shared>> -> memref<10240x128xf32, #tpu.memory_space<vmem_shared>>
    tpu.enqueue_indirect_dma source(%arg10 : memref<64x128xf32, #tpu.memory_space<vmem>>) target(%dma_start3A_338 : memref<10240x128xf32, #tpu.memory_space<vmem_shared>>) offsets(%dma_start3A_335 : memref<64xi32, #tpu.memory_space<vmem>>) semaphore(%arg18 : memref<!tpu.dma_semaphore, #tpu.memory_space<semaphore_mem>>) {add = true}
    %dma_wait3A_339 = arith.constant 0 : i32
    %dma_wait3A_340 = arith.constant 0 : i32
    %dma_wait3A_341 = tpu.memref_slice %arg2[%dma_wait3A_339, %dma_wait3A_340] : memref<10000x128xf32, #tpu.memory_space<hbm>> -> memref<64x128xf32, #tpu.memory_space<hbm>>
    %dma_wait3A_342 = arith.constant 0 : i32
    %dma_wait3A_343 = arith.constant 0 : i32
    %dma_wait3A_344 = tpu.memref_slice %arg2[%dma_wait3A_342, %dma_wait3A_343] : memref<10000x128xf32, #tpu.memory_space<hbm>> -> memref<64x128xf32, #tpu.memory_space<hbm>>
    tpu.wait_dma2 semaphore(%arg15 : memref<!tpu.dma_semaphore, #tpu.memory_space<semaphore_mem>>) src(%dma_wait3A_344 : memref<64x128xf32, #tpu.memory_space<hbm>>) dst(%arg7 : memref<64x128xf32, #tpu.memory_space<vmem>>)
    %dma_wait3A_345 = arith.constant 0 : i32
    %dma_wait3A_346 = arith.constant 0 : i32
    %dma_wait3A_347 = tpu.memref_slice %arg2[%dma_wait3A_345, %dma_wait3A_346] : memref<10000x128xf32, #tpu.memory_space<hbm>> -> memref<64x128xf32, #tpu.memory_space<hbm>>
    %dma_wait3A_348 = arith.constant 0 : i32
    %dma_wait3A_349 = arith.constant 0 : i32
    %dma_wait3A_350 = tpu.memref_slice %arg2[%dma_wait3A_348, %dma_wait3A_349] : memref<10000x128xf32, #tpu.memory_space<hbm>> -> memref<64x128xf32, #tpu.memory_space<hbm>>
    tpu.wait_dma2 semaphore(%arg16 : memref<!tpu.dma_semaphore, #tpu.memory_space<semaphore_mem>>) src(%dma_wait3A_350 : memref<64x128xf32, #tpu.memory_space<hbm>>) dst(%arg8 : memref<64x128xf32, #tpu.memory_space<vmem>>)
    %dma_wait3A_351 = arith.constant 0 : i32
    %dma_wait3A_352 = arith.constant 0 : i32
    %dma_wait3A_353 = tpu.memref_slice %arg2[%dma_wait3A_351, %dma_wait3A_352] : memref<10000x128xf32, #tpu.memory_space<hbm>> -> memref<64x128xf32, #tpu.memory_space<hbm>>
    %dma_wait3A_354 = arith.constant 0 : i32
    %dma_wait3A_355 = arith.constant 0 : i32
    %dma_wait3A_356 = tpu.memref_slice %arg2[%dma_wait3A_354, %dma_wait3A_355] : memref<10000x128xf32, #tpu.memory_space<hbm>> -> memref<64x128xf32, #tpu.memory_space<hbm>>
    tpu.wait_dma2 semaphore(%arg17 : memref<!tpu.dma_semaphore, #tpu.memory_space<semaphore_mem>>) src(%dma_wait3A_356 : memref<64x128xf32, #tpu.memory_space<hbm>>) dst(%arg9 : memref<64x128xf32, #tpu.memory_space<vmem>>)
    %dma_wait3A_357 = arith.constant 0 : i32
    %dma_wait3A_358 = arith.constant 0 : i32
    %dma_wait3A_359 = tpu.memref_slice %arg2[%dma_wait3A_357, %dma_wait3A_358] : memref<10000x128xf32, #tpu.memory_space<hbm>> -> memref<64x128xf32, #tpu.memory_space<hbm>>
    %dma_wait3A_360 = arith.constant 0 : i32
    %dma_wait3A_361 = arith.constant 0 : i32
    %dma_wait3A_362 = tpu.memref_slice %arg2[%dma_wait3A_360, %dma_wait3A_361] : memref<10000x128xf32, #tpu.memory_space<hbm>> -> memref<64x128xf32, #tpu.memory_space<hbm>>
    tpu.wait_dma2 semaphore(%arg18 : memref<!tpu.dma_semaphore, #tpu.memory_space<semaphore_mem>>) src(%dma_wait3A_362 : memref<64x128xf32, #tpu.memory_space<hbm>>) dst(%arg10 : memref<64x128xf32, #tpu.memory_space<vmem>>)
    %mul3A_363 = arith.constant 156 : i32
    %mul3A_364 = arith.muli %add3A, %mul3A_363 : i32
    %add3A_365 = arith.constant 104 : i32
    %add3A_366 = arith.addi %mul3A_364, %add3A_365 : i32
    %mul3A_367 = arith.constant 64 : i32
    %mul3A_368 = arith.muli %add3A_366, %mul3A_367 : i32
    "tpu.region"() ({
      %run_scoped3A = tpu.sem_alloc : memref<!tpu.dma_semaphore, #tpu.memory_space<semaphore_mem>>
      %dma_start3A_481 = arith.constant 0 : i32
      %dma_start3A_482 = tpu.memref_slice %arg3[%dma_start3A_481, %mul3A_368] : memref<2x320000xi32, #tpu.memory_space<hbm>> -> memref<2x3328xi32, #tpu.memory_space<hbm>>
      %dma_start3A_483 = arith.constant 0 : i32
      %dma_start3A_484 = tpu.memref_slice %arg3[%dma_start3A_483, %mul3A_368] : memref<2x320000xi32, #tpu.memory_space<hbm>> -> memref<2x3328xi32, #tpu.memory_space<hbm>>
      tpu.enqueue_dma source(%dma_start3A_484 : memref<2x3328xi32, #tpu.memory_space<hbm>>) target(%arg6 : memref<2x3328xi32, #tpu.memory_space<vmem>>) target_semaphore(%run_scoped3A : memref<!tpu.dma_semaphore, #tpu.memory_space<semaphore_mem>>)
      %dma_wait3A_485 = arith.constant 0 : i32
      %dma_wait3A_486 = tpu.memref_slice %arg3[%dma_wait3A_485, %mul3A_368] : memref<2x320000xi32, #tpu.memory_space<hbm>> -> memref<2x3328xi32, #tpu.memory_space<hbm>>
      %dma_wait3A_487 = arith.constant 0 : i32
      %dma_wait3A_488 = tpu.memref_slice %arg3[%dma_wait3A_487, %mul3A_368] : memref<2x320000xi32, #tpu.memory_space<hbm>> -> memref<2x3328xi32, #tpu.memory_space<hbm>>
      tpu.wait_dma2 semaphore(%run_scoped3A : memref<!tpu.dma_semaphore, #tpu.memory_space<semaphore_mem>>) src(%dma_wait3A_488 : memref<2x3328xi32, #tpu.memory_space<hbm>>) dst(%arg6 : memref<2x3328xi32, #tpu.memory_space<vmem>>)
      tpu.yield
    }) : () -> ()
    %dma_start3A_369 = arith.constant 0 : i32
    %dma_start3A_370 = arith.constant 0 : i32
    %dma_start3A_371 = tpu.memref_slice %arg6[%dma_start3A_369, %dma_start3A_370] : memref<2x3328xi32, #tpu.memory_space<vmem>> -> memref<1x64xi32, #tpu.memory_space<vmem>>
    %dma_start3A_372 = tpu.memref_squeeze %dma_start3A_371 : memref<1x64xi32, #tpu.memory_space<vmem>> -> memref<64xi32, #tpu.memory_space<vmem>>
    %dma_start3A_373 = arith.constant 0 : i32
    %dma_start3A_374 = arith.constant 0 : i32
    %dma_start3A_375 = tpu.memref_slice %arg2[%dma_start3A_373, %dma_start3A_374] : memref<10000x128xf32, #tpu.memory_space<hbm>> -> memref<10000x128xf32, #tpu.memory_space<hbm>>
    tpu.enqueue_indirect_dma source(%dma_start3A_375 : memref<10000x128xf32, #tpu.memory_space<hbm>>) target(%arg7 : memref<64x128xf32, #tpu.memory_space<vmem>>) offsets(%dma_start3A_372 : memref<64xi32, #tpu.memory_space<vmem>>) semaphore(%arg11 : memref<!tpu.dma_semaphore, #tpu.memory_space<semaphore_mem>>)
    %dma_start3A_376 = arith.constant 0 : i32
    %dma_start3A_377 = arith.constant 64 : i32
    %dma_start3A_378 = tpu.memref_slice %arg6[%dma_start3A_376, %dma_start3A_377] : memref<2x3328xi32, #tpu.memory_space<vmem>> -> memref<1x64xi32, #tpu.memory_space<vmem>>
    %dma_start3A_379 = tpu.memref_squeeze %dma_start3A_378 : memref<1x64xi32, #tpu.memory_space<vmem>> -> memref<64xi32, #tpu.memory_space<vmem>>
    %dma_start3A_380 = arith.constant 0 : i32
    %dma_start3A_381 = arith.constant 0 : i32
    %dma_start3A_382 = tpu.memref_slice %arg2[%dma_start3A_380, %dma_start3A_381] : memref<10000x128xf32, #tpu.memory_space<hbm>> -> memref<10000x128xf32, #tpu.memory_space<hbm>>
    tpu.enqueue_indirect_dma source(%dma_start3A_382 : memref<10000x128xf32, #tpu.memory_space<hbm>>) target(%arg8 : memref<64x128xf32, #tpu.memory_space<vmem>>) offsets(%dma_start3A_379 : memref<64xi32, #tpu.memory_space<vmem>>) semaphore(%arg12 : memref<!tpu.dma_semaphore, #tpu.memory_space<semaphore_mem>>)
    %dma_start3A_383 = arith.constant 0 : i32
    %dma_start3A_384 = arith.constant 128 : i32
    %dma_start3A_385 = tpu.memref_slice %arg6[%dma_start3A_383, %dma_start3A_384] : memref<2x3328xi32, #tpu.memory_space<vmem>> -> memref<1x64xi32, #tpu.memory_space<vmem>>
    %dma_start3A_386 = tpu.memref_squeeze %dma_start3A_385 : memref<1x64xi32, #tpu.memory_space<vmem>> -> memref<64xi32, #tpu.memory_space<vmem>>
    %dma_start3A_387 = arith.constant 0 : i32
    %dma_start3A_388 = arith.constant 0 : i32
    %dma_start3A_389 = tpu.memref_slice %arg2[%dma_start3A_387, %dma_start3A_388] : memref<10000x128xf32, #tpu.memory_space<hbm>> -> memref<10000x128xf32, #tpu.memory_space<hbm>>
    tpu.enqueue_indirect_dma source(%dma_start3A_389 : memref<10000x128xf32, #tpu.memory_space<hbm>>) target(%arg9 : memref<64x128xf32, #tpu.memory_space<vmem>>) offsets(%dma_start3A_386 : memref<64xi32, #tpu.memory_space<vmem>>) semaphore(%arg13 : memref<!tpu.dma_semaphore, #tpu.memory_space<semaphore_mem>>)
    %dma_start3A_390 = arith.constant 0 : i32
    %dma_start3A_391 = arith.constant 192 : i32
    %dma_start3A_392 = tpu.memref_slice %arg6[%dma_start3A_390, %dma_start3A_391] : memref<2x3328xi32, #tpu.memory_space<vmem>> -> memref<1x64xi32, #tpu.memory_space<vmem>>
    %dma_start3A_393 = tpu.memref_squeeze %dma_start3A_392 : memref<1x64xi32, #tpu.memory_space<vmem>> -> memref<64xi32, #tpu.memory_space<vmem>>
    %dma_start3A_394 = arith.constant 0 : i32
    %dma_start3A_395 = arith.constant 0 : i32
    %dma_start3A_396 = tpu.memref_slice %arg2[%dma_start3A_394, %dma_start3A_395] : memref<10000x128xf32, #tpu.memory_space<hbm>> -> memref<10000x128xf32, #tpu.memory_space<hbm>>
    tpu.enqueue_indirect_dma source(%dma_start3A_396 : memref<10000x128xf32, #tpu.memory_space<hbm>>) target(%arg10 : memref<64x128xf32, #tpu.memory_space<vmem>>) offsets(%dma_start3A_393 : memref<64xi32, #tpu.memory_space<vmem>>) semaphore(%arg14 : memref<!tpu.dma_semaphore, #tpu.memory_space<semaphore_mem>>)
    %scan3A_397 = arith.constant 0 : i32
    %scan3A_398 = arith.constant 12 : i32
    %scan3A_399 = arith.addi %scan3A_397, %scan3A_398 : i32
    %scan3A_400 = arith.constant 1 : i32
    scf.for %scan3A_481 = %scan3A_397 to %scan3A_399 step %scan3A_400  : i32 {
      %mul3A_482 = arith.constant 4 : i32
      %mul3A_483 = arith.muli %scan3A_481, %mul3A_482 : i32
      %add3A_484 = arith.constant 0 : i32
      %add3A_485 = arith.addi %add3A_484, %mul3A_483 : i32
      %dma_wait3A_486 = arith.constant 0 : i32
      %dma_wait3A_487 = arith.constant 0 : i32
      %dma_wait3A_488 = tpu.memref_slice %arg2[%dma_wait3A_486, %dma_wait3A_487] : memref<10000x128xf32, #tpu.memory_space<hbm>> -> memref<64x128xf32, #tpu.memory_space<hbm>>
      %dma_wait3A_489 = arith.constant 0 : i32
      %dma_wait3A_490 = arith.constant 0 : i32
      %dma_wait3A_491 = tpu.memref_slice %arg2[%dma_wait3A_489, %dma_wait3A_490] : memref<10000x128xf32, #tpu.memory_space<hbm>> -> memref<64x128xf32, #tpu.memory_space<hbm>>
      tpu.wait_dma2 semaphore(%arg11 : memref<!tpu.dma_semaphore, #tpu.memory_space<semaphore_mem>>) src(%dma_wait3A_491 : memref<64x128xf32, #tpu.memory_space<hbm>>) dst(%arg7 : memref<64x128xf32, #tpu.memory_space<vmem>>)
      %mul3A_492 = arith.constant 64 : i32
      %mul3A_493 = arith.muli %add3A_485, %mul3A_492 : i32
      %dma_start3A_494 = arith.constant 1 : i32
      %dma_start3A_495 = tpu.memref_slice %arg6[%dma_start3A_494, %mul3A_493] : memref<2x3328xi32, #tpu.memory_space<vmem>> -> memref<1x64xi32, #tpu.memory_space<vmem>>
      %dma_start3A_496 = tpu.memref_squeeze %dma_start3A_495 : memref<1x64xi32, #tpu.memory_space<vmem>> -> memref<64xi32, #tpu.memory_space<vmem>>
      %dma_start3A_497 = arith.constant 0 : i32
      %dma_start3A_498 = arith.constant 0 : i32
      %dma_start3A_499 = tpu.memref_slice %arg5[%dma_start3A_497, %dma_start3A_498] : memref<10240x128xf32, #tpu.memory_space<vmem_shared>> -> memref<10240x128xf32, #tpu.memory_space<vmem_shared>>
      tpu.enqueue_indirect_dma source(%arg7 : memref<64x128xf32, #tpu.memory_space<vmem>>) target(%dma_start3A_499 : memref<10240x128xf32, #tpu.memory_space<vmem_shared>>) offsets(%dma_start3A_496 : memref<64xi32, #tpu.memory_space<vmem>>) semaphore(%arg15 : memref<!tpu.dma_semaphore, #tpu.memory_space<semaphore_mem>>) {add = true}
      %dma_wait3A_500 = arith.constant 0 : i32
      %dma_wait3A_501 = arith.constant 0 : i32
      %dma_wait3A_502 = tpu.memref_slice %arg2[%dma_wait3A_500, %dma_wait3A_501] : memref<10000x128xf32, #tpu.memory_space<hbm>> -> memref<64x128xf32, #tpu.memory_space<hbm>>
      %dma_wait3A_503 = arith.constant 0 : i32
      %dma_wait3A_504 = arith.constant 0 : i32
      %dma_wait3A_505 = tpu.memref_slice %arg2[%dma_wait3A_503, %dma_wait3A_504] : memref<10000x128xf32, #tpu.memory_space<hbm>> -> memref<64x128xf32, #tpu.memory_space<hbm>>
      tpu.wait_dma2 semaphore(%arg12 : memref<!tpu.dma_semaphore, #tpu.memory_space<semaphore_mem>>) src(%dma_wait3A_505 : memref<64x128xf32, #tpu.memory_space<hbm>>) dst(%arg8 : memref<64x128xf32, #tpu.memory_space<vmem>>)
      %add3A_506 = arith.constant 1 : i32
      %add3A_507 = arith.addi %add3A_485, %add3A_506 : i32
      %mul3A_508 = arith.constant 64 : i32
      %mul3A_509 = arith.muli %add3A_507, %mul3A_508 : i32
      %dma_start3A_510 = arith.constant 1 : i32
      %dma_start3A_511 = tpu.memref_slice %arg6[%dma_start3A_510, %mul3A_509] : memref<2x3328xi32, #tpu.memory_space<vmem>> -> memref<1x64xi32, #tpu.memory_space<vmem>>
      %dma_start3A_512 = tpu.memref_squeeze %dma_start3A_511 : memref<1x64xi32, #tpu.memory_space<vmem>> -> memref<64xi32, #tpu.memory_space<vmem>>
      %dma_start3A_513 = arith.constant 0 : i32
      %dma_start3A_514 = arith.constant 0 : i32
      %dma_start3A_515 = tpu.memref_slice %arg5[%dma_start3A_513, %dma_start3A_514] : memref<10240x128xf32, #tpu.memory_space<vmem_shared>> -> memref<10240x128xf32, #tpu.memory_space<vmem_shared>>
      tpu.enqueue_indirect_dma source(%arg8 : memref<64x128xf32, #tpu.memory_space<vmem>>) target(%dma_start3A_515 : memref<10240x128xf32, #tpu.memory_space<vmem_shared>>) offsets(%dma_start3A_512 : memref<64xi32, #tpu.memory_space<vmem>>) semaphore(%arg16 : memref<!tpu.dma_semaphore, #tpu.memory_space<semaphore_mem>>) {add = true}
      %dma_wait3A_516 = arith.constant 0 : i32
      %dma_wait3A_517 = arith.constant 0 : i32
      %dma_wait3A_518 = tpu.memref_slice %arg2[%dma_wait3A_516, %dma_wait3A_517] : memref<10000x128xf32, #tpu.memory_space<hbm>> -> memref<64x128xf32, #tpu.memory_space<hbm>>
      %dma_wait3A_519 = arith.constant 0 : i32
      %dma_wait3A_520 = arith.constant 0 : i32
      %dma_wait3A_521 = tpu.memref_slice %arg2[%dma_wait3A_519, %dma_wait3A_520] : memref<10000x128xf32, #tpu.memory_space<hbm>> -> memref<64x128xf32, #tpu.memory_space<hbm>>
      tpu.wait_dma2 semaphore(%arg15 : memref<!tpu.dma_semaphore, #tpu.memory_space<semaphore_mem>>) src(%dma_wait3A_521 : memref<64x128xf32, #tpu.memory_space<hbm>>) dst(%arg7 : memref<64x128xf32, #tpu.memory_space<vmem>>)
      %add3A_522 = arith.constant 4 : i32
      %add3A_523 = arith.addi %add3A_485, %add3A_522 : i32
      %mul3A_524 = arith.constant 64 : i32
      %mul3A_525 = arith.muli %add3A_523, %mul3A_524 : i32
      %dma_start3A_526 = arith.constant 0 : i32
      %dma_start3A_527 = tpu.memref_slice %arg6[%dma_start3A_526, %mul3A_525] : memref<2x3328xi32, #tpu.memory_space<vmem>> -> memref<1x64xi32, #tpu.memory_space<vmem>>
      %dma_start3A_528 = tpu.memref_squeeze %dma_start3A_527 : memref<1x64xi32, #tpu.memory_space<vmem>> -> memref<64xi32, #tpu.memory_space<vmem>>
      %dma_start3A_529 = arith.constant 0 : i32
      %dma_start3A_530 = arith.constant 0 : i32
      %dma_start3A_531 = tpu.memref_slice %arg2[%dma_start3A_529, %dma_start3A_530] : memref<10000x128xf32, #tpu.memory_space<hbm>> -> memref<10000x128xf32, #tpu.memory_space<hbm>>
      tpu.enqueue_indirect_dma source(%dma_start3A_531 : memref<10000x128xf32, #tpu.memory_space<hbm>>) target(%arg7 : memref<64x128xf32, #tpu.memory_space<vmem>>) offsets(%dma_start3A_528 : memref<64xi32, #tpu.memory_space<vmem>>) semaphore(%arg11 : memref<!tpu.dma_semaphore, #tpu.memory_space<semaphore_mem>>)
      %dma_wait3A_532 = arith.constant 0 : i32
      %dma_wait3A_533 = arith.constant 0 : i32
      %dma_wait3A_534 = tpu.memref_slice %arg2[%dma_wait3A_532, %dma_wait3A_533] : memref<10000x128xf32, #tpu.memory_space<hbm>> -> memref<64x128xf32, #tpu.memory_space<hbm>>
      %dma_wait3A_535 = arith.constant 0 : i32
      %dma_wait3A_536 = arith.constant 0 : i32
      %dma_wait3A_537 = tpu.memref_slice %arg2[%dma_wait3A_535, %dma_wait3A_536] : memref<10000x128xf32, #tpu.memory_space<hbm>> -> memref<64x128xf32, #tpu.memory_space<hbm>>
      tpu.wait_dma2 semaphore(%arg13 : memref<!tpu.dma_semaphore, #tpu.memory_space<semaphore_mem>>) src(%dma_wait3A_537 : memref<64x128xf32, #tpu.memory_space<hbm>>) dst(%arg9 : memref<64x128xf32, #tpu.memory_space<vmem>>)
      %add3A_538 = arith.constant 2 : i32
      %add3A_539 = arith.addi %add3A_485, %add3A_538 : i32
      %mul3A_540 = arith.constant 64 : i32
      %mul3A_541 = arith.muli %add3A_539, %mul3A_540 : i32
      %dma_start3A_542 = arith.constant 1 : i32
      %dma_start3A_543 = tpu.memref_slice %arg6[%dma_start3A_542, %mul3A_541] : memref<2x3328xi32, #tpu.memory_space<vmem>> -> memref<1x64xi32, #tpu.memory_space<vmem>>
      %dma_start3A_544 = tpu.memref_squeeze %dma_start3A_543 : memref<1x64xi32, #tpu.memory_space<vmem>> -> memref<64xi32, #tpu.memory_space<vmem>>
      %dma_start3A_545 = arith.constant 0 : i32
      %dma_start3A_546 = arith.constant 0 : i32
      %dma_start3A_547 = tpu.memref_slice %arg5[%dma_start3A_545, %dma_start3A_546] : memref<10240x128xf32, #tpu.memory_space<vmem_shared>> -> memref<10240x128xf32, #tpu.memory_space<vmem_shared>>
      tpu.enqueue_indirect_dma source(%arg9 : memref<64x128xf32, #tpu.memory_space<vmem>>) target(%dma_start3A_547 : memref<10240x128xf32, #tpu.memory_space<vmem_shared>>) offsets(%dma_start3A_544 : memref<64xi32, #tpu.memory_space<vmem>>) semaphore(%arg17 : memref<!tpu.dma_semaphore, #tpu.memory_space<semaphore_mem>>) {add = true}
      %dma_wait3A_548 = arith.constant 0 : i32
      %dma_wait3A_549 = arith.constant 0 : i32
      %dma_wait3A_550 = tpu.memref_slice %arg2[%dma_wait3A_548, %dma_wait3A_549] : memref<10000x128xf32, #tpu.memory_space<hbm>> -> memref<64x128xf32, #tpu.memory_space<hbm>>
      %dma_wait3A_551 = arith.constant 0 : i32
      %dma_wait3A_552 = arith.constant 0 : i32
      %dma_wait3A_553 = tpu.memref_slice %arg2[%dma_wait3A_551, %dma_wait3A_552] : memref<10000x128xf32, #tpu.memory_space<hbm>> -> memref<64x128xf32, #tpu.memory_space<hbm>>
      tpu.wait_dma2 semaphore(%arg16 : memref<!tpu.dma_semaphore, #tpu.memory_space<semaphore_mem>>) src(%dma_wait3A_553 : memref<64x128xf32, #tpu.memory_space<hbm>>) dst(%arg8 : memref<64x128xf32, #tpu.memory_space<vmem>>)
      %add3A_554 = arith.constant 4 : i32
      %add3A_555 = arith.addi %add3A_485, %add3A_554 : i32
      %add3A_556 = arith.constant 1 : i32
      %add3A_557 = arith.addi %add3A_555, %add3A_556 : i32
      %mul3A_558 = arith.constant 64 : i32
      %mul3A_559 = arith.muli %add3A_557, %mul3A_558 : i32
      %dma_start3A_560 = arith.constant 0 : i32
      %dma_start3A_561 = tpu.memref_slice %arg6[%dma_start3A_560, %mul3A_559] : memref<2x3328xi32, #tpu.memory_space<vmem>> -> memref<1x64xi32, #tpu.memory_space<vmem>>
      %dma_start3A_562 = tpu.memref_squeeze %dma_start3A_561 : memref<1x64xi32, #tpu.memory_space<vmem>> -> memref<64xi32, #tpu.memory_space<vmem>>
      %dma_start3A_563 = arith.constant 0 : i32
      %dma_start3A_564 = arith.constant 0 : i32
      %dma_start3A_565 = tpu.memref_slice %arg2[%dma_start3A_563, %dma_start3A_564] : memref<10000x128xf32, #tpu.memory_space<hbm>> -> memref<10000x128xf32, #tpu.memory_space<hbm>>
      tpu.enqueue_indirect_dma source(%dma_start3A_565 : memref<10000x128xf32, #tpu.memory_space<hbm>>) target(%arg8 : memref<64x128xf32, #tpu.memory_space<vmem>>) offsets(%dma_start3A_562 : memref<64xi32, #tpu.memory_space<vmem>>) semaphore(%arg12 : memref<!tpu.dma_semaphore, #tpu.memory_space<semaphore_mem>>)
      %dma_wait3A_566 = arith.constant 0 : i32
      %dma_wait3A_567 = arith.constant 0 : i32
      %dma_wait3A_568 = tpu.memref_slice %arg2[%dma_wait3A_566, %dma_wait3A_567] : memref<10000x128xf32, #tpu.memory_space<hbm>> -> memref<64x128xf32, #tpu.memory_space<hbm>>
      %dma_wait3A_569 = arith.constant 0 : i32
      %dma_wait3A_570 = arith.constant 0 : i32
      %dma_wait3A_571 = tpu.memref_slice %arg2[%dma_wait3A_569, %dma_wait3A_570] : memref<10000x128xf32, #tpu.memory_space<hbm>> -> memref<64x128xf32, #tpu.memory_space<hbm>>
      tpu.wait_dma2 semaphore(%arg14 : memref<!tpu.dma_semaphore, #tpu.memory_space<semaphore_mem>>) src(%dma_wait3A_571 : memref<64x128xf32, #tpu.memory_space<hbm>>) dst(%arg10 : memref<64x128xf32, #tpu.memory_space<vmem>>)
      %add3A_572 = arith.constant 3 : i32
      %add3A_573 = arith.addi %add3A_485, %add3A_572 : i32
      %mul3A_574 = arith.constant 64 : i32
      %mul3A_575 = arith.muli %add3A_573, %mul3A_574 : i32
      %dma_start3A_576 = arith.constant 1 : i32
      %dma_start3A_577 = tpu.memref_slice %arg6[%dma_start3A_576, %mul3A_575] : memref<2x3328xi32, #tpu.memory_space<vmem>> -> memref<1x64xi32, #tpu.memory_space<vmem>>
      %dma_start3A_578 = tpu.memref_squeeze %dma_start3A_577 : memref<1x64xi32, #tpu.memory_space<vmem>> -> memref<64xi32, #tpu.memory_space<vmem>>
      %dma_start3A_579 = arith.constant 0 : i32
      %dma_start3A_580 = arith.constant 0 : i32
      %dma_start3A_581 = tpu.memref_slice %arg5[%dma_start3A_579, %dma_start3A_580] : memref<10240x128xf32, #tpu.memory_space<vmem_shared>> -> memref<10240x128xf32, #tpu.memory_space<vmem_shared>>
      tpu.enqueue_indirect_dma source(%arg10 : memref<64x128xf32, #tpu.memory_space<vmem>>) target(%dma_start3A_581 : memref<10240x128xf32, #tpu.memory_space<vmem_shared>>) offsets(%dma_start3A_578 : memref<64xi32, #tpu.memory_space<vmem>>) semaphore(%arg18 : memref<!tpu.dma_semaphore, #tpu.memory_space<semaphore_mem>>) {add = true}
      %dma_wait3A_582 = arith.constant 0 : i32
      %dma_wait3A_583 = arith.constant 0 : i32
      %dma_wait3A_584 = tpu.memref_slice %arg2[%dma_wait3A_582, %dma_wait3A_583] : memref<10000x128xf32, #tpu.memory_space<hbm>> -> memref<64x128xf32, #tpu.memory_space<hbm>>
      %dma_wait3A_585 = arith.constant 0 : i32
      %dma_wait3A_586 = arith.constant 0 : i32
      %dma_wait3A_587 = tpu.memref_slice %arg2[%dma_wait3A_585, %dma_wait3A_586] : memref<10000x128xf32, #tpu.memory_space<hbm>> -> memref<64x128xf32, #tpu.memory_space<hbm>>
      tpu.wait_dma2 semaphore(%arg17 : memref<!tpu.dma_semaphore, #tpu.memory_space<semaphore_mem>>) src(%dma_wait3A_587 : memref<64x128xf32, #tpu.memory_space<hbm>>) dst(%arg9 : memref<64x128xf32, #tpu.memory_space<vmem>>)
      %add3A_588 = arith.constant 4 : i32
      %add3A_589 = arith.addi %add3A_485, %add3A_588 : i32
      %add3A_590 = arith.constant 2 : i32
      %add3A_591 = arith.addi %add3A_589, %add3A_590 : i32
      %mul3A_592 = arith.constant 64 : i32
      %mul3A_593 = arith.muli %add3A_591, %mul3A_592 : i32
      %dma_start3A_594 = arith.constant 0 : i32
      %dma_start3A_595 = tpu.memref_slice %arg6[%dma_start3A_594, %mul3A_593] : memref<2x3328xi32, #tpu.memory_space<vmem>> -> memref<1x64xi32, #tpu.memory_space<vmem>>
      %dma_start3A_596 = tpu.memref_squeeze %dma_start3A_595 : memref<1x64xi32, #tpu.memory_space<vmem>> -> memref<64xi32, #tpu.memory_space<vmem>>
      %dma_start3A_597 = arith.constant 0 : i32
      %dma_start3A_598 = arith.constant 0 : i32
      %dma_start3A_599 = tpu.memref_slice %arg2[%dma_start3A_597, %dma_start3A_598] : memref<10000x128xf32, #tpu.memory_space<hbm>> -> memref<10000x128xf32, #tpu.memory_space<hbm>>
      tpu.enqueue_indirect_dma source(%dma_start3A_599 : memref<10000x128xf32, #tpu.memory_space<hbm>>) target(%arg9 : memref<64x128xf32, #tpu.memory_space<vmem>>) offsets(%dma_start3A_596 : memref<64xi32, #tpu.memory_space<vmem>>) semaphore(%arg13 : memref<!tpu.dma_semaphore, #tpu.memory_space<semaphore_mem>>)
      %dma_wait3A_600 = arith.constant 0 : i32
      %dma_wait3A_601 = arith.constant 0 : i32
      %dma_wait3A_602 = tpu.memref_slice %arg2[%dma_wait3A_600, %dma_wait3A_601] : memref<10000x128xf32, #tpu.memory_space<hbm>> -> memref<64x128xf32, #tpu.memory_space<hbm>>
      %dma_wait3A_603 = arith.constant 0 : i32
      %dma_wait3A_604 = arith.constant 0 : i32
      %dma_wait3A_605 = tpu.memref_slice %arg2[%dma_wait3A_603, %dma_wait3A_604] : memref<10000x128xf32, #tpu.memory_space<hbm>> -> memref<64x128xf32, #tpu.memory_space<hbm>>
      tpu.wait_dma2 semaphore(%arg18 : memref<!tpu.dma_semaphore, #tpu.memory_space<semaphore_mem>>) src(%dma_wait3A_605 : memref<64x128xf32, #tpu.memory_space<hbm>>) dst(%arg10 : memref<64x128xf32, #tpu.memory_space<vmem>>)
      %add3A_606 = arith.constant 4 : i32
      %add3A_607 = arith.addi %add3A_485, %add3A_606 : i32
      %add3A_608 = arith.constant 3 : i32
      %add3A_609 = arith.addi %add3A_607, %add3A_608 : i32
      %mul3A_610 = arith.constant 64 : i32
      %mul3A_611 = arith.muli %add3A_609, %mul3A_610 : i32
      %dma_start3A_612 = arith.constant 0 : i32
      %dma_start3A_613 = tpu.memref_slice %arg6[%dma_start3A_612, %mul3A_611] : memref<2x3328xi32, #tpu.memory_space<vmem>> -> memref<1x64xi32, #tpu.memory_space<vmem>>
      %dma_start3A_614 = tpu.memref_squeeze %dma_start3A_613 : memref<1x64xi32, #tpu.memory_space<vmem>> -> memref<64xi32, #tpu.memory_space<vmem>>
      %dma_start3A_615 = arith.constant 0 : i32
      %dma_start3A_616 = arith.constant 0 : i32
      %dma_start3A_617 = tpu.memref_slice %arg2[%dma_start3A_615, %dma_start3A_616] : memref<10000x128xf32, #tpu.memory_space<hbm>> -> memref<10000x128xf32, #tpu.memory_space<hbm>>
      tpu.enqueue_indirect_dma source(%dma_start3A_617 : memref<10000x128xf32, #tpu.memory_space<hbm>>) target(%arg10 : memref<64x128xf32, #tpu.memory_space<vmem>>) offsets(%dma_start3A_614 : memref<64xi32, #tpu.memory_space<vmem>>) semaphore(%arg14 : memref<!tpu.dma_semaphore, #tpu.memory_space<semaphore_mem>>)
    }
    %scan3A_401 = arith.constant 12 : i32
    %dma_wait3A_402 = arith.constant 0 : i32
    %dma_wait3A_403 = arith.constant 0 : i32
    %dma_wait3A_404 = tpu.memref_slice %arg2[%dma_wait3A_402, %dma_wait3A_403] : memref<10000x128xf32, #tpu.memory_space<hbm>> -> memref<64x128xf32, #tpu.memory_space<hbm>>
    %dma_wait3A_405 = arith.constant 0 : i32
    %dma_wait3A_406 = arith.constant 0 : i32
    %dma_wait3A_407 = tpu.memref_slice %arg2[%dma_wait3A_405, %dma_wait3A_406] : memref<10000x128xf32, #tpu.memory_space<hbm>> -> memref<64x128xf32, #tpu.memory_space<hbm>>
    tpu.wait_dma2 semaphore(%arg11 : memref<!tpu.dma_semaphore, #tpu.memory_space<semaphore_mem>>) src(%dma_wait3A_407 : memref<64x128xf32, #tpu.memory_space<hbm>>) dst(%arg7 : memref<64x128xf32, #tpu.memory_space<vmem>>)
    %dma_start3A_408 = arith.constant 1 : i32
    %dma_start3A_409 = arith.constant 3072 : i32
    %dma_start3A_410 = tpu.memref_slice %arg6[%dma_start3A_408, %dma_start3A_409] : memref<2x3328xi32, #tpu.memory_space<vmem>> -> memref<1x64xi32, #tpu.memory_space<vmem>>
    %dma_start3A_411 = tpu.memref_squeeze %dma_start3A_410 : memref<1x64xi32, #tpu.memory_space<vmem>> -> memref<64xi32, #tpu.memory_space<vmem>>
    %dma_start3A_412 = arith.constant 0 : i32
    %dma_start3A_413 = arith.constant 0 : i32
    %dma_start3A_414 = tpu.memref_slice %arg5[%dma_start3A_412, %dma_start3A_413] : memref<10240x128xf32, #tpu.memory_space<vmem_shared>> -> memref<10240x128xf32, #tpu.memory_space<vmem_shared>>
    tpu.enqueue_indirect_dma source(%arg7 : memref<64x128xf32, #tpu.memory_space<vmem>>) target(%dma_start3A_414 : memref<10240x128xf32, #tpu.memory_space<vmem_shared>>) offsets(%dma_start3A_411 : memref<64xi32, #tpu.memory_space<vmem>>) semaphore(%arg15 : memref<!tpu.dma_semaphore, #tpu.memory_space<semaphore_mem>>) {add = true}
    %dma_wait3A_415 = arith.constant 0 : i32
    %dma_wait3A_416 = arith.constant 0 : i32
    %dma_wait3A_417 = tpu.memref_slice %arg2[%dma_wait3A_415, %dma_wait3A_416] : memref<10000x128xf32, #tpu.memory_space<hbm>> -> memref<64x128xf32, #tpu.memory_space<hbm>>
    %dma_wait3A_418 = arith.constant 0 : i32
    %dma_wait3A_419 = arith.constant 0 : i32
    %dma_wait3A_420 = tpu.memref_slice %arg2[%dma_wait3A_418, %dma_wait3A_419] : memref<10000x128xf32, #tpu.memory_space<hbm>> -> memref<64x128xf32, #tpu.memory_space<hbm>>
    tpu.wait_dma2 semaphore(%arg12 : memref<!tpu.dma_semaphore, #tpu.memory_space<semaphore_mem>>) src(%dma_wait3A_420 : memref<64x128xf32, #tpu.memory_space<hbm>>) dst(%arg8 : memref<64x128xf32, #tpu.memory_space<vmem>>)
    %dma_start3A_421 = arith.constant 1 : i32
    %dma_start3A_422 = arith.constant 3136 : i32
    %dma_start3A_423 = tpu.memref_slice %arg6[%dma_start3A_421, %dma_start3A_422] : memref<2x3328xi32, #tpu.memory_space<vmem>> -> memref<1x64xi32, #tpu.memory_space<vmem>>
    %dma_start3A_424 = tpu.memref_squeeze %dma_start3A_423 : memref<1x64xi32, #tpu.memory_space<vmem>> -> memref<64xi32, #tpu.memory_space<vmem>>
    %dma_start3A_425 = arith.constant 0 : i32
    %dma_start3A_426 = arith.constant 0 : i32
    %dma_start3A_427 = tpu.memref_slice %arg5[%dma_start3A_425, %dma_start3A_426] : memref<10240x128xf32, #tpu.memory_space<vmem_shared>> -> memref<10240x128xf32, #tpu.memory_space<vmem_shared>>
    tpu.enqueue_indirect_dma source(%arg8 : memref<64x128xf32, #tpu.memory_space<vmem>>) target(%dma_start3A_427 : memref<10240x128xf32, #tpu.memory_space<vmem_shared>>) offsets(%dma_start3A_424 : memref<64xi32, #tpu.memory_space<vmem>>) semaphore(%arg16 : memref<!tpu.dma_semaphore, #tpu.memory_space<semaphore_mem>>) {add = true}
    %dma_wait3A_428 = arith.constant 0 : i32
    %dma_wait3A_429 = arith.constant 0 : i32
    %dma_wait3A_430 = tpu.memref_slice %arg2[%dma_wait3A_428, %dma_wait3A_429] : memref<10000x128xf32, #tpu.memory_space<hbm>> -> memref<64x128xf32, #tpu.memory_space<hbm>>
    %dma_wait3A_431 = arith.constant 0 : i32
    %dma_wait3A_432 = arith.constant 0 : i32
    %dma_wait3A_433 = tpu.memref_slice %arg2[%dma_wait3A_431, %dma_wait3A_432] : memref<10000x128xf32, #tpu.memory_space<hbm>> -> memref<64x128xf32, #tpu.memory_space<hbm>>
    tpu.wait_dma2 semaphore(%arg13 : memref<!tpu.dma_semaphore, #tpu.memory_space<semaphore_mem>>) src(%dma_wait3A_433 : memref<64x128xf32, #tpu.memory_space<hbm>>) dst(%arg9 : memref<64x128xf32, #tpu.memory_space<vmem>>)
    %dma_start3A_434 = arith.constant 1 : i32
    %dma_start3A_435 = arith.constant 3200 : i32
    %dma_start3A_436 = tpu.memref_slice %arg6[%dma_start3A_434, %dma_start3A_435] : memref<2x3328xi32, #tpu.memory_space<vmem>> -> memref<1x64xi32, #tpu.memory_space<vmem>>
    %dma_start3A_437 = tpu.memref_squeeze %dma_start3A_436 : memref<1x64xi32, #tpu.memory_space<vmem>> -> memref<64xi32, #tpu.memory_space<vmem>>
    %dma_start3A_438 = arith.constant 0 : i32
    %dma_start3A_439 = arith.constant 0 : i32
    %dma_start3A_440 = tpu.memref_slice %arg5[%dma_start3A_438, %dma_start3A_439] : memref<10240x128xf32, #tpu.memory_space<vmem_shared>> -> memref<10240x128xf32, #tpu.memory_space<vmem_shared>>
    tpu.enqueue_indirect_dma source(%arg9 : memref<64x128xf32, #tpu.memory_space<vmem>>) target(%dma_start3A_440 : memref<10240x128xf32, #tpu.memory_space<vmem_shared>>) offsets(%dma_start3A_437 : memref<64xi32, #tpu.memory_space<vmem>>) semaphore(%arg17 : memref<!tpu.dma_semaphore, #tpu.memory_space<semaphore_mem>>) {add = true}
    %dma_wait3A_441 = arith.constant 0 : i32
    %dma_wait3A_442 = arith.constant 0 : i32
    %dma_wait3A_443 = tpu.memref_slice %arg2[%dma_wait3A_441, %dma_wait3A_442] : memref<10000x128xf32, #tpu.memory_space<hbm>> -> memref<64x128xf32, #tpu.memory_space<hbm>>
    %dma_wait3A_444 = arith.constant 0 : i32
    %dma_wait3A_445 = arith.constant 0 : i32
    %dma_wait3A_446 = tpu.memref_slice %arg2[%dma_wait3A_444, %dma_wait3A_445] : memref<10000x128xf32, #tpu.memory_space<hbm>> -> memref<64x128xf32, #tpu.memory_space<hbm>>
    tpu.wait_dma2 semaphore(%arg14 : memref<!tpu.dma_semaphore, #tpu.memory_space<semaphore_mem>>) src(%dma_wait3A_446 : memref<64x128xf32, #tpu.memory_space<hbm>>) dst(%arg10 : memref<64x128xf32, #tpu.memory_space<vmem>>)
    %dma_start3A_447 = arith.constant 1 : i32
    %dma_start3A_448 = arith.constant 3264 : i32
    %dma_start3A_449 = tpu.memref_slice %arg6[%dma_start3A_447, %dma_start3A_448] : memref<2x3328xi32, #tpu.memory_space<vmem>> -> memref<1x64xi32, #tpu.memory_space<vmem>>
    %dma_start3A_450 = tpu.memref_squeeze %dma_start3A_449 : memref<1x64xi32, #tpu.memory_space<vmem>> -> memref<64xi32, #tpu.memory_space<vmem>>
    %dma_start3A_451 = arith.constant 0 : i32
    %dma_start3A_452 = arith.constant 0 : i32
    %dma_start3A_453 = tpu.memref_slice %arg5[%dma_start3A_451, %dma_start3A_452] : memref<10240x128xf32, #tpu.memory_space<vmem_shared>> -> memref<10240x128xf32, #tpu.memory_space<vmem_shared>>
    tpu.enqueue_indirect_dma source(%arg10 : memref<64x128xf32, #tpu.memory_space<vmem>>) target(%dma_start3A_453 : memref<10240x128xf32, #tpu.memory_space<vmem_shared>>) offsets(%dma_start3A_450 : memref<64xi32, #tpu.memory_space<vmem>>) semaphore(%arg18 : memref<!tpu.dma_semaphore, #tpu.memory_space<semaphore_mem>>) {add = true}
    %dma_wait3A_454 = arith.constant 0 : i32
    %dma_wait3A_455 = arith.constant 0 : i32
    %dma_wait3A_456 = tpu.memref_slice %arg2[%dma_wait3A_454, %dma_wait3A_455] : memref<10000x128xf32, #tpu.memory_space<hbm>> -> memref<64x128xf32, #tpu.memory_space<hbm>>
    %dma_wait3A_457 = arith.constant 0 : i32
    %dma_wait3A_458 = arith.constant 0 : i32
    %dma_wait3A_459 = tpu.memref_slice %arg2[%dma_wait3A_457, %dma_wait3A_458] : memref<10000x128xf32, #tpu.memory_space<hbm>> -> memref<64x128xf32, #tpu.memory_space<hbm>>
    tpu.wait_dma2 semaphore(%arg15 : memref<!tpu.dma_semaphore, #tpu.memory_space<semaphore_mem>>) src(%dma_wait3A_459 : memref<64x128xf32, #tpu.memory_space<hbm>>) dst(%arg7 : memref<64x128xf32, #tpu.memory_space<vmem>>)
    %dma_wait3A_460 = arith.constant 0 : i32
    %dma_wait3A_461 = arith.constant 0 : i32
    %dma_wait3A_462 = tpu.memref_slice %arg2[%dma_wait3A_460, %dma_wait3A_461] : memref<10000x128xf32, #tpu.memory_space<hbm>> -> memref<64x128xf32, #tpu.memory_space<hbm>>
    %dma_wait3A_463 = arith.constant 0 : i32
    %dma_wait3A_464 = arith.constant 0 : i32
    %dma_wait3A_465 = tpu.memref_slice %arg2[%dma_wait3A_463, %dma_wait3A_464] : memref<10000x128xf32, #tpu.memory_space<hbm>> -> memref<64x128xf32, #tpu.memory_space<hbm>>
    tpu.wait_dma2 semaphore(%arg16 : memref<!tpu.dma_semaphore, #tpu.memory_space<semaphore_mem>>) src(%dma_wait3A_465 : memref<64x128xf32, #tpu.memory_space<hbm>>) dst(%arg8 : memref<64x128xf32, #tpu.memory_space<vmem>>)
    %dma_wait3A_466 = arith.constant 0 : i32
    %dma_wait3A_467 = arith.constant 0 : i32
    %dma_wait3A_468 = tpu.memref_slice %arg2[%dma_wait3A_466, %dma_wait3A_467] : memref<10000x128xf32, #tpu.memory_space<hbm>> -> memref<64x128xf32, #tpu.memory_space<hbm>>
    %dma_wait3A_469 = arith.constant 0 : i32
    %dma_wait3A_470 = arith.constant 0 : i32
    %dma_wait3A_471 = tpu.memref_slice %arg2[%dma_wait3A_469, %dma_wait3A_470] : memref<10000x128xf32, #tpu.memory_space<hbm>> -> memref<64x128xf32, #tpu.memory_space<hbm>>
    tpu.wait_dma2 semaphore(%arg17 : memref<!tpu.dma_semaphore, #tpu.memory_space<semaphore_mem>>) src(%dma_wait3A_471 : memref<64x128xf32, #tpu.memory_space<hbm>>) dst(%arg9 : memref<64x128xf32, #tpu.memory_space<vmem>>)
    %dma_wait3A_472 = arith.constant 0 : i32
    %dma_wait3A_473 = arith.constant 0 : i32
    %dma_wait3A_474 = tpu.memref_slice %arg2[%dma_wait3A_472, %dma_wait3A_473] : memref<10000x128xf32, #tpu.memory_space<hbm>> -> memref<64x128xf32, #tpu.memory_space<hbm>>
    %dma_wait3A_475 = arith.constant 0 : i32
    %dma_wait3A_476 = arith.constant 0 : i32
    %dma_wait3A_477 = tpu.memref_slice %arg2[%dma_wait3A_475, %dma_wait3A_476] : memref<10000x128xf32, #tpu.memory_space<hbm>> -> memref<64x128xf32, #tpu.memory_space<hbm>>
    tpu.wait_dma2 semaphore(%arg18 : memref<!tpu.dma_semaphore, #tpu.memory_space<semaphore_mem>>) src(%dma_wait3A_477 : memref<64x128xf32, #tpu.memory_space<hbm>>) dst(%arg10 : memref<64x128xf32, #tpu.memory_space<vmem>>)
    %lt3A = arith.constant 4 : i32
    %lt3A_478 = arith.cmpi slt, %add3A, %lt3A : i32
    %convert_element_type3A = arith.extui %lt3A_478 : i1 to i32
    %cond3A = arith.constant 0 : i32
    %cond3A_479 = arith.cmpi ne, %convert_element_type3A, %cond3A : i32
    scf.if %cond3A_479 {
      %mul3A_481 = arith.constant 128 : i32
      %mul3A_482 = arith.muli %add3A, %mul3A_481 : i32
      %add3A_483 = arith.constant 319488 : i32
      %add3A_484 = arith.addi %add3A_483, %mul3A_482 : i32
      "tpu.region"() ({
        %run_scoped3A_488 = tpu.sem_alloc : memref<!tpu.dma_semaphore, #tpu.memory_space<semaphore_mem>>
        %dma_start3A_489 = arith.constant 0 : i32
        %dma_start3A_490 = arith.constant 0 : i32
        %dma_start3A_491 = tpu.memref_slice %arg6[%dma_start3A_489, %dma_start3A_490] : memref<2x3328xi32, #tpu.memory_space<vmem>> -> memref<2x128xi32, #tpu.memory_space<vmem>>
        %dma_start3A_492 = arith.constant 0 : i32
        %dma_start3A_493 = tpu.memref_slice %arg3[%dma_start3A_492, %add3A_484] : memref<2x320000xi32, #tpu.memory_space<hbm>> -> memref<2x128xi32, #tpu.memory_space<hbm>>
        %dma_start3A_494 = arith.constant 0 : i32
        %dma_start3A_495 = arith.constant 0 : i32
        %dma_start3A_496 = tpu.memref_slice %arg6[%dma_start3A_494, %dma_start3A_495] : memref<2x3328xi32, #tpu.memory_space<vmem>> -> memref<2x128xi32, #tpu.memory_space<vmem>>
        %dma_start3A_497 = arith.constant 0 : i32
        %dma_start3A_498 = tpu.memref_slice %arg3[%dma_start3A_497, %add3A_484] : memref<2x320000xi32, #tpu.memory_space<hbm>> -> memref<2x128xi32, #tpu.memory_space<hbm>>
        tpu.enqueue_dma source(%dma_start3A_498 : memref<2x128xi32, #tpu.memory_space<hbm>>) target(%dma_start3A_496 : memref<2x128xi32, #tpu.memory_space<vmem>>) target_semaphore(%run_scoped3A_488 : memref<!tpu.dma_semaphore, #tpu.memory_space<semaphore_mem>>)
        %dma_wait3A_499 = arith.constant 0 : i32
        %dma_wait3A_500 = arith.constant 0 : i32
        %dma_wait3A_501 = tpu.memref_slice %arg6[%dma_wait3A_499, %dma_wait3A_500] : memref<2x3328xi32, #tpu.memory_space<vmem>> -> memref<2x128xi32, #tpu.memory_space<vmem>>
        %dma_wait3A_502 = arith.constant 0 : i32
        %dma_wait3A_503 = tpu.memref_slice %arg3[%dma_wait3A_502, %add3A_484] : memref<2x320000xi32, #tpu.memory_space<hbm>> -> memref<2x128xi32, #tpu.memory_space<hbm>>
        %dma_wait3A_504 = arith.constant 0 : i32
        %dma_wait3A_505 = arith.constant 0 : i32
        %dma_wait3A_506 = tpu.memref_slice %arg6[%dma_wait3A_504, %dma_wait3A_505] : memref<2x3328xi32, #tpu.memory_space<vmem>> -> memref<2x128xi32, #tpu.memory_space<vmem>>
        %dma_wait3A_507 = arith.constant 0 : i32
        %dma_wait3A_508 = tpu.memref_slice %arg3[%dma_wait3A_507, %add3A_484] : memref<2x320000xi32, #tpu.memory_space<hbm>> -> memref<2x128xi32, #tpu.memory_space<hbm>>
        tpu.wait_dma2 semaphore(%run_scoped3A_488 : memref<!tpu.dma_semaphore, #tpu.memory_space<semaphore_mem>>) src(%dma_wait3A_508 : memref<2x128xi32, #tpu.memory_space<hbm>>) dst(%dma_wait3A_506 : memref<2x128xi32, #tpu.memory_space<vmem>>)
        tpu.yield
      }) : () -> ()
      %run_scoped3A = arith.constant 0 : i32
      "tpu.region"() ({
        %run_scoped3A_488 = tpu.sem_alloc : memref<!tpu.dma_semaphore, #tpu.memory_space<semaphore_mem>>
        %dma_start3A_489 = arith.constant 0 : i32
        %dma_start3A_490 = tpu.memref_slice %arg6[%run_scoped3A, %dma_start3A_489] : memref<2x3328xi32, #tpu.memory_space<vmem>> -> memref<1x64xi32, #tpu.memory_space<vmem>>
        %dma_start3A_491 = tpu.memref_squeeze %dma_start3A_490 : memref<1x64xi32, #tpu.memory_space<vmem>> -> memref<64xi32, #tpu.memory_space<vmem>>
        %dma_start3A_492 = arith.constant 0 : i32
        %dma_start3A_493 = arith.constant 0 : i32
        %dma_start3A_494 = tpu.memref_slice %arg2[%dma_start3A_492, %dma_start3A_493] : memref<10000x128xf32, #tpu.memory_space<hbm>> -> memref<10000x128xf32, #tpu.memory_space<hbm>>
        tpu.enqueue_indirect_dma source(%dma_start3A_494 : memref<10000x128xf32, #tpu.memory_space<hbm>>) target(%arg7 : memref<64x128xf32, #tpu.memory_space<vmem>>) offsets(%dma_start3A_491 : memref<64xi32, #tpu.memory_space<vmem>>) semaphore(%run_scoped3A_488 : memref<!tpu.dma_semaphore, #tpu.memory_space<semaphore_mem>>)
        %dma_wait3A_495 = arith.constant 0 : i32
        %dma_wait3A_496 = tpu.memref_slice %arg6[%run_scoped3A, %dma_wait3A_495] : memref<2x3328xi32, #tpu.memory_space<vmem>> -> memref<1x64xi32, #tpu.memory_space<vmem>>
        %dma_wait3A_497 = tpu.memref_squeeze %dma_wait3A_496 : memref<1x64xi32, #tpu.memory_space<vmem>> -> memref<64xi32, #tpu.memory_space<vmem>>
        %dma_wait3A_498 = arith.constant 0 : i32
        %dma_wait3A_499 = arith.constant 0 : i32
        %dma_wait3A_500 = tpu.memref_slice %arg2[%dma_wait3A_498, %dma_wait3A_499] : memref<10000x128xf32, #tpu.memory_space<hbm>> -> memref<10000x128xf32, #tpu.memory_space<hbm>>
        tpu.wait_indirect_dma semaphore(%run_scoped3A_488 : memref<!tpu.dma_semaphore, #tpu.memory_space<semaphore_mem>>) src(%dma_wait3A_500 : memref<10000x128xf32, #tpu.memory_space<hbm>>) dst(%arg7 : memref<64x128xf32, #tpu.memory_space<vmem>>)
        tpu.yield
      }) : () -> ()
      %run_scoped3A_485 = arith.constant 1 : i32
      "tpu.region"() ({
        %run_scoped3A_488 = tpu.sem_alloc : memref<!tpu.dma_semaphore, #tpu.memory_space<semaphore_mem>>
        %dma_start3A_489 = arith.constant 0 : i32
        %dma_start3A_490 = tpu.memref_slice %arg6[%run_scoped3A_485, %dma_start3A_489] : memref<2x3328xi32, #tpu.memory_space<vmem>> -> memref<1x64xi32, #tpu.memory_space<vmem>>
        %dma_start3A_491 = tpu.memref_squeeze %dma_start3A_490 : memref<1x64xi32, #tpu.memory_space<vmem>> -> memref<64xi32, #tpu.memory_space<vmem>>
        %dma_start3A_492 = arith.constant 0 : i32
        %dma_start3A_493 = arith.constant 0 : i32
        %dma_start3A_494 = tpu.memref_slice %arg5[%dma_start3A_492, %dma_start3A_493] : memref<10240x128xf32, #tpu.memory_space<vmem_shared>> -> memref<10240x128xf32, #tpu.memory_space<vmem_shared>>
        tpu.enqueue_indirect_dma source(%arg7 : memref<64x128xf32, #tpu.memory_space<vmem>>) target(%dma_start3A_494 : memref<10240x128xf32, #tpu.memory_space<vmem_shared>>) offsets(%dma_start3A_491 : memref<64xi32, #tpu.memory_space<vmem>>) semaphore(%run_scoped3A_488 : memref<!tpu.dma_semaphore, #tpu.memory_space<semaphore_mem>>) {add = true}
        %dma_wait3A_495 = arith.constant 0 : i32
        %dma_wait3A_496 = tpu.memref_slice %arg6[%run_scoped3A_485, %dma_wait3A_495] : memref<2x3328xi32, #tpu.memory_space<vmem>> -> memref<1x64xi32, #tpu.memory_space<vmem>>
        %dma_wait3A_497 = tpu.memref_squeeze %dma_wait3A_496 : memref<1x64xi32, #tpu.memory_space<vmem>> -> memref<64xi32, #tpu.memory_space<vmem>>
        %dma_wait3A_498 = arith.constant 0 : i32
        %dma_wait3A_499 = arith.constant 0 : i32
        %dma_wait3A_500 = tpu.memref_slice %arg5[%dma_wait3A_498, %dma_wait3A_499] : memref<10240x128xf32, #tpu.memory_space<vmem_shared>> -> memref<10240x128xf32, #tpu.memory_space<vmem_shared>>
        tpu.wait_indirect_dma semaphore(%run_scoped3A_488 : memref<!tpu.dma_semaphore, #tpu.memory_space<semaphore_mem>>) src(%arg7 : memref<64x128xf32, #tpu.memory_space<vmem>>) dst(%dma_wait3A_500 : memref<10240x128xf32, #tpu.memory_space<vmem_shared>>)
        tpu.yield
      }) : () -> ()
      %run_scoped3A_486 = arith.constant 0 : i32
      "tpu.region"() ({
        %run_scoped3A_488 = tpu.sem_alloc : memref<!tpu.dma_semaphore, #tpu.memory_space<semaphore_mem>>
        %dma_start3A_489 = arith.constant 64 : i32
        %dma_start3A_490 = tpu.memref_slice %arg6[%run_scoped3A_486, %dma_start3A_489] : memref<2x3328xi32, #tpu.memory_space<vmem>> -> memref<1x64xi32, #tpu.memory_space<vmem>>
        %dma_start3A_491 = tpu.memref_squeeze %dma_start3A_490 : memref<1x64xi32, #tpu.memory_space<vmem>> -> memref<64xi32, #tpu.memory_space<vmem>>
        %dma_start3A_492 = arith.constant 0 : i32
        %dma_start3A_493 = arith.constant 0 : i32
        %dma_start3A_494 = tpu.memref_slice %arg2[%dma_start3A_492, %dma_start3A_493] : memref<10000x128xf32, #tpu.memory_space<hbm>> -> memref<10000x128xf32, #tpu.memory_space<hbm>>
        tpu.enqueue_indirect_dma source(%dma_start3A_494 : memref<10000x128xf32, #tpu.memory_space<hbm>>) target(%arg8 : memref<64x128xf32, #tpu.memory_space<vmem>>) offsets(%dma_start3A_491 : memref<64xi32, #tpu.memory_space<vmem>>) semaphore(%run_scoped3A_488 : memref<!tpu.dma_semaphore, #tpu.memory_space<semaphore_mem>>)
        %dma_wait3A_495 = arith.constant 64 : i32
        %dma_wait3A_496 = tpu.memref_slice %arg6[%run_scoped3A_486, %dma_wait3A_495] : memref<2x3328xi32, #tpu.memory_space<vmem>> -> memref<1x64xi32, #tpu.memory_space<vmem>>
        %dma_wait3A_497 = tpu.memref_squeeze %dma_wait3A_496 : memref<1x64xi32, #tpu.memory_space<vmem>> -> memref<64xi32, #tpu.memory_space<vmem>>
        %dma_wait3A_498 = arith.constant 0 : i32
        %dma_wait3A_499 = arith.constant 0 : i32
        %dma_wait3A_500 = tpu.memref_slice %arg2[%dma_wait3A_498, %dma_wait3A_499] : memref<10000x128xf32, #tpu.memory_space<hbm>> -> memref<10000x128xf32, #tpu.memory_space<hbm>>
        tpu.wait_indirect_dma semaphore(%run_scoped3A_488 : memref<!tpu.dma_semaphore, #tpu.memory_space<semaphore_mem>>) src(%dma_wait3A_500 : memref<10000x128xf32, #tpu.memory_space<hbm>>) dst(%arg8 : memref<64x128xf32, #tpu.memory_space<vmem>>)
        tpu.yield
      }) : () -> ()
      %run_scoped3A_487 = arith.constant 1 : i32
      "tpu.region"() ({
        %run_scoped3A_488 = tpu.sem_alloc : memref<!tpu.dma_semaphore, #tpu.memory_space<semaphore_mem>>
        %dma_start3A_489 = arith.constant 64 : i32
        %dma_start3A_490 = tpu.memref_slice %arg6[%run_scoped3A_487, %dma_start3A_489] : memref<2x3328xi32, #tpu.memory_space<vmem>> -> memref<1x64xi32, #tpu.memory_space<vmem>>
        %dma_start3A_491 = tpu.memref_squeeze %dma_start3A_490 : memref<1x64xi32, #tpu.memory_space<vmem>> -> memref<64xi32, #tpu.memory_space<vmem>>
        %dma_start3A_492 = arith.constant 0 : i32
        %dma_start3A_493 = arith.constant 0 : i32
        %dma_start3A_494 = tpu.memref_slice %arg5[%dma_start3A_492, %dma_start3A_493] : memref<10240x128xf32, #tpu.memory_space<vmem_shared>> -> memref<10240x128xf32, #tpu.memory_space<vmem_shared>>
        tpu.enqueue_indirect_dma source(%arg8 : memref<64x128xf32, #tpu.memory_space<vmem>>) target(%dma_start3A_494 : memref<10240x128xf32, #tpu.memory_space<vmem_shared>>) offsets(%dma_start3A_491 : memref<64xi32, #tpu.memory_space<vmem>>) semaphore(%run_scoped3A_488 : memref<!tpu.dma_semaphore, #tpu.memory_space<semaphore_mem>>) {add = true}
        %dma_wait3A_495 = arith.constant 64 : i32
        %dma_wait3A_496 = tpu.memref_slice %arg6[%run_scoped3A_487, %dma_wait3A_495] : memref<2x3328xi32, #tpu.memory_space<vmem>> -> memref<1x64xi32, #tpu.memory_space<vmem>>
        %dma_wait3A_497 = tpu.memref_squeeze %dma_wait3A_496 : memref<1x64xi32, #tpu.memory_space<vmem>> -> memref<64xi32, #tpu.memory_space<vmem>>
        %dma_wait3A_498 = arith.constant 0 : i32
        %dma_wait3A_499 = arith.constant 0 : i32
        %dma_wait3A_500 = tpu.memref_slice %arg5[%dma_wait3A_498, %dma_wait3A_499] : memref<10240x128xf32, #tpu.memory_space<vmem_shared>> -> memref<10240x128xf32, #tpu.memory_space<vmem_shared>>
        tpu.wait_indirect_dma semaphore(%run_scoped3A_488 : memref<!tpu.dma_semaphore, #tpu.memory_space<semaphore_mem>>) src(%arg8 : memref<64x128xf32, #tpu.memory_space<vmem>>) dst(%dma_wait3A_500 : memref<10240x128xf32, #tpu.memory_space<vmem_shared>>)
        tpu.yield
      }) : () -> ()
    } else {
    }
    %barrier3A_480 = arith.constant 0 : index
    tpu.barrier barrier_id(%barrier3A_480)
    "tpu.region"() ({
      %run_scoped3A = tpu.sem_alloc : memref<!tpu.dma_semaphore, #tpu.memory_space<semaphore_mem>>
      %dma_start3A_481 = arith.constant 0 : i32
      %dma_start3A_482 = tpu.memref_slice %arg4[%arg0, %mul3A_13, %dma_start3A_481] : memref<2x10240x128xf32, #tpu.memory_space<hbm>> -> memref<1x640x128xf32, #tpu.memory_space<hbm>>
      %dma_start3A_483 = tpu.memref_squeeze %dma_start3A_482 : memref<1x640x128xf32, #tpu.memory_space<hbm>> -> memref<640x128xf32, #tpu.memory_space<hbm>>
      %dma_start3A_484 = arith.constant 0 : i32
      %dma_start3A_485 = tpu.memref_slice %arg5[%mul3A_13, %dma_start3A_484] : memref<10240x128xf32, #tpu.memory_space<vmem_shared>> -> memref<640x128xf32, #tpu.memory_space<vmem_shared>>
      tpu.enqueue_dma source(%dma_start3A_485 : memref<640x128xf32, #tpu.memory_space<vmem_shared>>) target(%dma_start3A_483 : memref<640x128xf32, #tpu.memory_space<hbm>>) target_semaphore(%run_scoped3A : memref<!tpu.dma_semaphore, #tpu.memory_space<semaphore_mem>>)
      %dma_wait3A_486 = arith.constant 0 : i32
      %dma_wait3A_487 = tpu.memref_slice %arg4[%arg0, %mul3A_13, %dma_wait3A_486] : memref<2x10240x128xf32, #tpu.memory_space<hbm>> -> memref<1x640x128xf32, #tpu.memory_space<hbm>>
      %dma_wait3A_488 = tpu.memref_squeeze %dma_wait3A_487 : memref<1x640x128xf32, #tpu.memory_space<hbm>> -> memref<640x128xf32, #tpu.memory_space<hbm>>
      %dma_wait3A_489 = arith.constant 0 : i32
      %dma_wait3A_490 = tpu.memref_slice %arg5[%mul3A_13, %dma_wait3A_489] : memref<10240x128xf32, #tpu.memory_space<vmem_shared>> -> memref<640x128xf32, #tpu.memory_space<vmem_shared>>
      tpu.wait_dma2 semaphore(%run_scoped3A : memref<!tpu.dma_semaphore, #tpu.memory_space<semaphore_mem>>) src(%dma_wait3A_490 : memref<640x128xf32, #tpu.memory_space<vmem_shared>>) dst(%dma_wait3A_488 : memref<640x128xf32, #tpu.memory_space<hbm>>)
      tpu.yield
    }) : () -> ()
    return
  }
}

</mosaic_0001>

<sc_bundles>
// kernel: _sc_agg.3.cloned.1.call-start
scs
__scs_entry_jumppad:
0x0: {  	(pc) =	sbr.rel $0x88, $3  }
0x1: {  	(tag) =	ssettag $0x0;
	lr =	simm.s32 $0x1  }
0x2: {  	[smem:$0x3F9F] =	sst lr;
	_ =	strace $0xD0000000  }
0x3: {  	_ = 	snop  }
0x4: {  	_ = 	snop  }
0x5: {  	_ = 	snop  }
0x6: {  	_ = 	snop  }
0x7: {  	_ = 	snop  }
__scs_overlays_trampoline_lowered:
0x8: {  	[smem:$0x3FAE] =	sst s0  }
0x9: {  	[smem:$0x3FAF] =	sst s1  }
0xa: {  	[smem:$0x3FB0] =	sst s2  }
0xb: {  	[smem:$0x3FB1] =	sst s3  }
0xc: {  	[smem:$0x3FB2] =	sst s4  }
0xd: {  	[smem:$0x3FB3] =	sst s5  }
0xe: {  	[smem:$0x3FB4] =	sst s6  }
0xf: {  	[smem:$0x3FB5] =	sst s7  }
0x10: {  	[smem:$0x3FB6] =	sst s8  }
0x11: {  	[smem:$0x3FB7] =	sst s9;
	s0 =	simm.s32 @!p0 $0x0  }
0x12: {  	s1 =	sld [smem:$0x3F9D];
	s0 =	simm.s32 @p0 $0x1  }
0x13: {  	[smem:$0x3FB8] =	sst s0;
	s0 =	simm.s32 @!p1 $0x0  }
0x14: {  	s2 =	sld [smem:$0x3F9C];
	s0 =	simm.s32 @p1 $0x1  }
0x15: {  	[smem:$0x3FB9] =	sst s0;
	s0 =	simm.s32 @!p2 $0x0  }
0x16: {  	s3 =	sld [smem:$0x3FDB];
	s0 =	simm.s32 @p2 $0x1  }
0x17: {  	s4 =	simm.s32 $0x1BF5;
	[smem:$0x3FBB] =	sst s0  }
0x18: {  	s0 =	sld [smem:$0x3F9E];
	_ =	swait.ge [sflag:s4], $0x0  }
0x19: {  	s7 =	sld [smem:$0x3F9F]  }
0x1a: {  	s8 =	sadd.s32 $0xFFFFE003, lr  }
0x1b: {  	s9 =	sadd.s32 $0xFFFFFEF7, lr;
	s5 =	simm.s32 $0xFFFFFFFF;
	p2 =	slt.u32 s8, $0xFFFFF086  }
0x1c: {  	p1 =	slt.u32 s9, $0xF7A;
	s5 =	simm.s32 @!p2 $0x0  }
0x1d: {  	s5 =	simm.s32 @p1 $0x1;
	p0 =	seq.s32 s7, s2  }
0x1e: {  	s7 =	smul.u32 @!p0 $0xF7A, s2;
	p2 =	seq.s32 @!p0 s5, $0x0  }
0x1f: {  	s9 =	smul.u32 $0xF7A, s1;
	s8 =	simm.s32 @!p0 $0x1BF5;
	p2 =	por !p2, p0  }
0x20: {  	[sflag:s8] =	ssyncset.s32 @!p0 $0xFFFFF086;
	s6 =	sadd.s32 @!p0 s3, s7;
	s7 =	simm.s32 @!p0 $0x108  }
0x21: {  	s3 =	sadd.s32 s3, s9;
	s6 =	sadd.s32 @!p0 $0x88, s6;
	s7 =	simm.s32 @p2 $0x1082  }
0x22: {  	[simem:s7], [sflag:s8] =	dma.local @!p0 [hbm:s6], $0xF7A  }
0x23: {  	s9 =	sor.u32 $0xD0000000, s2;
	s6 =	simm.s32 $0x108;
	_ =	swait.ge @!p0 [sflag:s8], $0x0  }
0x24: {  	s3 =	sadd.s32 $0x88, s3;
	s6 =	simm.s32 @!p1 $0x1082;
	[sflag:s4] =	ssyncset.s32 $0xFFFFF086  }
0x25: {  	[simem:s6], [sflag:s4] =	dma.local [hbm:s3], $0xF7A  }
0x26: {  	[smem:$0x3F9F] =	sst s1;
	(tag) =	ssettag s2;
	_ =	strace s9  }
0x27: {  	s1 =	sld [smem:$0x3FAF]  }
0x28: {  	s2 =	sld [smem:$0x3FB0]  }
0x29: {  	s4 =	sld [smem:$0x3FB2]  }
0x2a: {  	p0 =	seq.s32 s5, $0x0;
	s5 =	sld [smem:$0x3FB3]  }
0x2b: {  	s6 =	sld [smem:$0x3FB4]  }
0x2c: {  	s7 =	sld [smem:$0x3FB5]  }
0x2d: {  	s3 =	simm.s32 $0x108;
	s8 =	sld [smem:$0x3FB6]  }
0x2e: {  	s3 =	simm.s32 @!p0 $0x1082;
	s9 =	sld [smem:$0x3FB7]  }
0x2f: {  	lr =	sadd.s32 s0, s3;
	s0 =	sld [smem:$0x3FAE]  }
0x30: {  	s3 =	sld [smem:$0x3FB1]  }
0x31: {  	[smem:$0x3FBA] =	sst s10  }
0x32: {  	s10 =	sld [smem:$0x3FB8];
	_ =	sdelay $0x3  }
0x33: {  	p0 =	seq.s32 s10, $0x1;
	s10 =	sld [smem:$0x3FBA];
	_ =	sdelay $0x3  }
0x34: {  	[smem:$0x3FBA] =	sst s10  }
0x35: {  	s10 =	sld [smem:$0x3FB9];
	_ =	sdelay $0x3  }
0x36: {  	p1 =	seq.s32 s10, $0x1;
	s10 =	sld [smem:$0x3FBA];
	_ =	sdelay $0x3  }
0x37: {  	[smem:$0x3FBA] =	sst s10  }
0x38: {  	s10 =	sld [smem:$0x3FBB]  }
0x39: {  	_ = 	snop;
	(pc) =	sbr.ind lr, $3  }
0x3a: {  	_ = 	snop  }
0x3b: {  	_ = 	snop  }
0x3c: {  	p2 =	seq.s32 s10, $0x1;
	s10 =	sld [smem:$0x3FBA]  }
0x3d: {  	_ =	shalt  }
0x3e: {  	_ =	shalt  }
0x3f: {  	_ =	shalt  }
0x40: {  	_ =	shalt  }
0x41: {  	_ =	shalt  }
0x42: {  	_ =	shalt  }
0x43: {  	_ =	shalt  }
0x44: {  	_ =	shalt  }
0x45: {  	_ =	shalt  }
0x46: {  	_ =	shalt  }
0x47: {  	_ =	shalt  }
0x48: {  	_ =	shalt  }
0x49: {  	_ =	shalt  }
0x4a: {  	_ =	shalt  }
0x4b: {  	_ =	shalt  }
0x4c: {  	_ =	shalt  }
0x4d: {  	_ =	shalt  }
0x4e: {  	_ =	shalt  }
0x4f: {  	_ =	shalt  }
0x50: {  	_ =	shalt  }
0x51: {  	_ =	shalt  }
0x52: {  	_ =	shalt  }
0x53: {  	_ =	shalt  }
0x54: {  	_ =	shalt  }
0x55: {  	_ =	shalt  }
0x56: {  	_ =	shalt  }
0x57: {  	_ =	shalt  }
0x58: {  	_ =	shalt  }
0x59: {  	_ =	shalt  }
0x5a: {  	_ =	shalt  }
0x5b: {  	_ =	shalt  }
0x5c: {  	_ =	shalt  }
0x5d: {  	_ =	shalt  }
0x5e: {  	_ =	shalt  }
0x5f: {  	_ =	shalt  }
0x60: {  	_ =	shalt  }
0x61: {  	_ =	shalt  }
0x62: {  	_ =	shalt  }
0x63: {  	_ =	shalt  }
0x64: {  	_ =	shalt  }
0x65: {  	_ =	shalt  }
0x66: {  	_ =	shalt  }
0x67: {  	_ =	shalt  }
0x68: {  	_ =	shalt  }
0x69: {  	_ =	shalt  }
0x6a: {  	_ =	shalt  }
0x6b: {  	_ =	shalt  }
0x6c: {  	_ =	shalt  }
0x6d: {  	_ =	shalt  }
0x6e: {  	_ =	shalt  }
0x6f: {  	_ =	shalt  }
0x70: {  	_ =	shalt  }
0x71: {  	_ =	shalt  }
0x72: {  	_ =	shalt  }
0x73: {  	_ =	shalt  }
0x74: {  	_ =	shalt  }
0x75: {  	_ =	shalt  }
0x76: {  	_ =	shalt  }
0x77: {  	_ =	shalt  }
0x78: {  	_ =	shalt  }
0x79: {  	_ =	shalt  }
0x7a: {  	_ =	shalt  }
0x7b: {  	_ =	shalt  }
0x7c: {  	_ =	shalt  }
0x7d: {  	_ =	shalt  }
0x7e: {  	_ =	shalt  }
0x7f: {  	_ =	shalt  }
0x80: {  	_ =	shalt  }
0x81: {  	_ =	shalt  }
0x82: {  	_ =	shalt  }
0x83: {  	_ =	shalt  }
0x84: {  	_ =	shalt  }
0x85: {  	_ =	shalt  }
0x86: {  	_ =	shalt  }
0x87: {  	_ =	shalt  }
.Lfunc_end0:
.L_simem_size_0:
called_computation_lowered:
.L_overlay_start_0:
0x88: {  	s2 =	sld [smem:$0x3FD9]  }
0x89: {  	s3 =	sld [smem:$0x3FFE];
	_ =	sdelay $0x1  }
0x8a: {  	s1 =	srdreg.scid  }
0x8b: {  	s0 =	sand.u32 $0x1, s1  }
0x8c: {  	s18 =	sshll.u32 s0, $0xA;
	s2 =	sadd.s32 s3, s2  }
0x8d: {  	s2 =	sadd.s32 s2, s18  }
0x8e: {  	[smem:$0x3FC6] =	sst s2  }
0x8f: {  	_ = 	snop  }
0x90: {  	s2 =	sld [smem:$0x3FC9]  }
0x91: {  	s19 =	sld [smem:$0x3FC8]  }
0x92: {  	s4 =	sld [smem:$0x3FD0];
	(tm) =	ssettm $0x1  }
0x93: {  	s5 =	sld [smem:$0x3FFB];
	_ =	sdelay $0x3  }
0x94: {  	_ =	strace s5  }
0x95: {  	s5 =	sld [smem:$0x3FFC];
	_ =	sdelay $0x3  }
0x96: {  	_ =	strace s5  }
0x97: {  	s5 =	sld [smem:$0x3FFD];
	_ =	sdelay $0x3  }
0x98: {  	_ =	strace s5  }
0x99: {  	_ =	strace $0x8FFFFFFF  }
0x9a: {  	s20 =	sld [smem:$0x3FDB];
	_ =	sdelay $0x1  }
0x9b: {  	s6 =	simm.s32 $_scs_section_size  }
0x9c: {  	s7 =	simm.s32 $_size__tile_overlayer_lowered;
	s8 =	simm.s32 $_tile_overlayer_lowered  }
0x9d: {  	s23 =	simm.s32 $0x1BFF;
	s22 =	sshll.u32 s8, $0x1;
	s5 =	sadd.s32 s6, s20  }
0x9e: {  	s9 =	simm.s32 $0x0;
	s21 =	sshll.u32 s7, $0x1;
	s7 =	sadd.s32 s22, s5  }
0x9f: {  	[timem:s9], [sflag:s23] =	dma.local [hbm:s7], s21  }
0xa0: {  	_ =	swait.ge [sflag:s23], s21  }
0xa1: {  	s6 =	ssub.s32 $0x0, s21;
	[sflag:s23] =	ssyncset.done $0x0  }
0xa2: {  	[sflag:s23] =	ssyncadd.s32 s6;
	_ =	sdelay $0x1  }
0xa3: {  	s24 =	simm.s32 $0x1B8B  }
0xa4: {  	_ =	swait.ge [sflag:s24], $0x1  }
0xa5: {  	[sflag:s24] =	ssyncset.done $0x0  }
0xa6: {  	s25 =	simm.s32 $0x1B8E;
	[sflag:s24] =	ssyncadd.s32 $0xFFFFFFFF  }
0xa7: {  	s26 =	simm.s32 $execute0_lowered;
	[smem:$0x3FD2] =	sst s25  }
0xa8: {  	s6 =	sshll.u32 s26, $0x1;
	_ =	strace $0x80000046;
	[dreg:$0x1] =	wrdreg $0xFFFFFFFF  }
0xa9: {  	s28 =	simm.s32 $_size_execute0_lowered;
	s5 =	sadd.s32 s5, s6;
	[dreg:$0x0] =	wrdreg $0x0  }
0xaa: {  	s6 =	sshll.u32 s28, $0x1;
	[dreg:$0x2] =	wrdreg s5  }
0xab: {  	[dreg:$0x3] =	wrdreg s6  }
0xac: {  	[dreg:$0x4] =	wrdreg $0xC0  }
0xad: {  	_ =	task [dreg:s9], $0x5FFFF  }
0xae: {  	[dreg:$0x1] =	wrdreg $0xFFFFFFFF  }
0xaf: {  	[dreg:$0x0] =	wrdreg $0x60  }
0xb0: {  	[dreg:$0x2] =	wrdreg s2  }
0xb1: {  	[dreg:$0x3] =	wrdreg s19  }
0xb2: {  	[dreg:$0x4] =	wrdreg s4  }
0xb3: {  	[dreg:$0x5] =	wrdreg $0x0  }
0xb4: {  	[dreg:$0x6] =	wrdreg $0x9  }
0xb5: {  	_ =	task.clear_ibuf [dreg:s9], $0x7FFFF;
	_ =	strace $0x90000046  }
0xb6: {  	s29 =	simm.s32 $0x9;
	_ =	strace $0x80000048  }
0xb7: {  	_ =	swait.ge [sflag:s29], $0x1  }
0xb8: {  	[sflag:s29] =	ssyncadd.s32 $0xFFFFFFFF  }
0xb9: {  	_ =	strace $0x90000048  }
0xba: {  	_ =	sfence  }
0xbb: {  	s30 =	sld [smem:$0x0];
	_ =	sdelay $0x2  }
0xbc: {  	s31 =	sshll.u32 s1, $0xD;
	s1 =	sshrl.u32 s1, $0x2  }
0xbd: {  	s3 =	sand.u32 $0x4000, s31;
	s1 =	sadd.s32 s1, s30  }
0xbe: {  	s0 =	sor.u32 s3, s0;
	s1 =	sshll.u32 s1, $0x11  }
0xbf: {  	s0 =	sor.u32 s1, s0  }
0xc0: {  	s0 =	sadd.s32 $0x8F2B, s0  }
0xc1: {  	[sflag:s0] =	ssyncadd.remote.s32 $0x1  }
0xc2: {  	_ =	sfence.sel $0xFFFF  }
0xc3: {  	[dreg:$0x0] =	wrdreg $0xFFFFFFFF;
	(pc) =	sbr.abs _section_cstart, $3  }
0xc4: {  	[dreg:$0x1] =	wrdreg $0xFFFFFFFF  }
0xc5: {  	_ =	task.clear_ibuf [dreg:s9], $0x2FFFF;
	_ =	strace $0x9FFFFFFF  }
0xc6: {  	(tm) =	ssettm $0x7FFFFFFF  }
0xc7: {  	_ =	shalt  }
tec
execute0_lowered:
.L_overlay_start_1:
0x0: {  	(tag) =	ssettag $0x1  }
0x1: {  	s1 =	rddreg [dreg:$0x0]  }
0x2: {  	s0 =	rddreg [dreg:$0x1]  }
0x3: {  	s2 =	rddreg [dreg:$0x2]  }
0x4: {  	s3 =	rddreg [dreg:$0x3]  }
0x5: {  	s4 =	srdreg.scid;
	s10 =	stileid.u32  }
0x6: {  	s7 =	simm.s32 $0x0;
	s28 =	simm.s32 $0x1;
	s29 =	simm.s32 $0x40  }
0x7: {  	s30 =	simm.s32 $0x14040;
	s31 =	simm.s32 $0x17A00;
	s6 =	smul.u32 $0x50000, s10  }
0x8: {  	s4 =	sand.u32 $0x1, s4;
	[smem:$0x7FF] =	sst s7;
	s23 =	smul.u32 $0x14000, s10  }
0x9: {  	s5 =	sshll.u32 s4, $0x4;
	s12 =	ssub.s32 $0x2, s4;
	_ =	strace $0x80000047  }
0xa: {  	s4 =	smul.u32 $0x140000, s4;
	s8 =	sor.u32 s10, s5;
	s6 =	sshrl.u32 s6, $0x2  }
0xb: {  	s13 =	sshrl.u32 s12, $0x1;
	s10 =	sshll.u32 s10, $0x5;
	s5 =	sadd.s32 s6, s3  }
0xc: {  	s9 =	smul.u32 $0x9C0, s8;
	s7 =	ssub.s32 s12, s13;
	s15 =	sadd.s32 $0x2000, s5  }
0xd: {  	s19 =	smul.u32 $0x4E00, s8;
	s16 =	sadd.s32 $0x4000, s5;
	[dreg:$0x6] =	wrdreg s15  }
0xe: {  	s4 =	sadd.s32 s23, s4;
	s17 =	sadd.s32 $0x6000, s5;
	[dreg:$0x7] =	wrdreg s16  }
0xf: {  	s23 =	simm.s32 $0x5;
	s18 =	sadd.s32 $0x8000, s5;
	[dreg:$0x8] =	wrdreg s17  }
0x10: {  	p0 =	sgt.u32 s8, $0x3;
	s20 =	sadd.s32 $0xA000, s5;
	[dreg:$0x9] =	wrdreg s18  }
0x11: {  	s8 =	simm.s32 $0x3;
	s21 =	sadd.s32 $0xC000, s5;
	[dreg:$0xa] =	wrdreg s20  }
0x12: {  	s12 =	simm.s32 $0x15980;
	s22 =	sadd.s32 $0xE000, s5;
	[dreg:$0xb] =	wrdreg s21  }
0x13: {  	s13 =	simm.s32 $0x159C0;
	s11 =	sadd.s32 $0x10000, s5;
	[dreg:$0xc] =	wrdreg s22  }
0x14: {  	s24 =	sadd.s32 $0x12000, s5;
	s4 =	sshrl.u32 s4, $0x3;
	[dreg:$0xd] =	wrdreg s11  }
0x15: {  	s14 =	sadd.s32 s0, s9;
	s6 =	sshrl.u32 s19, $0x3;
	[dreg:$0xe] =	wrdreg s24  }
0x16: {  	s26 =	sadd.s32 s2, s4;
	s20 =	smax.u32 s7, $0x1;
	s21 =	simm.s32 $0x14000  }
0x17: {  	s22 =	simm.s32 $0x15A00;
	s24 =	simm.s32 $0x6;
	s4 =	simm.s32 $0x19A00  }
0x18: {  	s2 =	simm.s32 $0x14140;
	s7 =	simm.s32 $0x2;
	s9 =	simm.s32 $0x4  }
0x19: {  	s11 =	simm.s32 $0x158C0;
	[dreg:$0x5] =	wrdreg s14;
	s6 =	sadd.s32 s0, s6  }
0x1a: {  	s15 =	simm.s32 $0x0;
	[dreg:$0x12] =	wrdreg s26;
	s25 =	sadd.s32 $0x340, s6  }
0x1b: {  	s0 =	sadd.s32 s10, s0;
	s6 =	sadd.s32 $0x680, s6;
	[dreg:$0xf] =	wrdreg s25  }
0x1c: {  	s26 =	simm.s32 $0x8;
	s0 =	sadd.s32 $0x13800, s0;
	[dreg:$0x10] =	wrdreg s6  }
0x1d: {  	s10 =	simm.s32 $0x15880;
	s14 =	simm.s32 $0x9;
	[dreg:$0x11] =	wrdreg s0  }
0x1e: {  	v0 =	vimm.f32 $0.0e+00;
	s25 =	simm.s32 $0x7;
	s0 =	simm.s32 $0x14100;
	s6 =	simm.s32 $0x1BA00  }
.LBB2_1:
0x1f: {  	s16 =	simm.s32 $0x0;
	s17 =	rddreg [dreg:$0x5]  }
0x20: {  	[tilespmem:s21], [sflag:$0x1] =	stream.linear.gather [hbm4b:s17+s16], $0x1A00, $0x38;
	[tilespmem:$0x1DA00] =	vst v63  }
0x21: {  	s16 =	simm.s32 $0x0;
	s17 =	simm.s32 $0x200  }
.LBB2_2:
0x22: {  	p1 =	sne.s32 s17, $0x7E00;
	[tilespmem:s16+$0x15A70] =	vst v0  }
0x23: {  	[tilespmem:s16+$0x15A00] =	vst v0  }
0x24: {  	[tilespmem:s16+$0x15A10] =	vst v0  }
.Ltmp0:
0x25: {  	[tilespmem:s16+$0x15A20] =	vst v0;
	(pc) =	sbr.rel @p1 .LBB2_2-.Ltmp0, $4  }
0x26: {  	[tilespmem:s16+$0x15A30] =	vst v0  }
0x27: {  	[tilespmem:s16+$0x15A40] =	vst v0  }
0x28: {  	[tilespmem:s16+$0x15A50] =	vst v0  }
0x29: {  	[tilespmem:s16+$0x15A60] =	vst v0;
	s16 =	sshra.s32 s17, $0x2;
	s17 =	sadd.s32 $0x200, s17  }
0x2a: {  	[tilespmem:s16+$0x15A70] =	vst v0  }
0x2b: {  	[tilespmem:s16+$0x15A00] =	vst v0  }
0x2c: {  	[tilespmem:s16+$0x15A10] =	vst v0  }
0x2d: {  	[tilespmem:s16+$0x15A20] =	vst v0  }
0x2e: {  	[tilespmem:s16+$0x15A30] =	vst v0  }
0x2f: {  	[tilespmem:s16+$0x15A40] =	vst v0  }
0x30: {  	[tilespmem:s16+$0x15A50] =	vst v0  }
0x31: {  	[tilespmem:s16+$0x15A60] =	vst v0  }
0x32: {  	[spmem:s5] =	stream.linear.scatter [tilespmem:s22], [sflag:$0x5], $0x2000, $0x38;
	[tilespmem:$0x1DA00] =	vst v63  }
0x33: {  	s19 =	rddreg [dreg:$0x6]  }
0x34: {  	[spmem:s19] =	stream.linear.scatter [tilespmem:s22], [sflag:$0x6], $0x2000, $0x38;
	[tilespmem:$0x1DA00] =	vst v63  }
0x35: {  	s17 =	rddreg [dreg:$0x7]  }
0x36: {  	[spmem:s17] =	stream.linear.scatter [tilespmem:s22], [sflag:$0x7], $0x2000, $0x38;
	[tilespmem:$0x1DA00] =	vst v63  }
0x37: {  	s18 =	rddreg [dreg:$0x8]  }
0x38: {  	[spmem:s18] =	stream.linear.scatter [tilespmem:s22], [sflag:$0x8], $0x2000, $0x38;
	[tilespmem:$0x1DA00] =	vst v63  }
0x39: {  	s19 =	rddreg [dreg:$0x9]  }
0x3a: {  	[spmem:s19] =	stream.linear.scatter [tilespmem:s22], [sflag:$0x5], $0x2000, $0x38;
	[tilespmem:$0x1DA00] =	vst v63  }
0x3b: {  	s17 =	rddreg [dreg:$0xa]  }
0x3c: {  	[spmem:s17] =	stream.linear.scatter [tilespmem:s22], [sflag:$0x6], $0x2000, $0x38;
	[tilespmem:$0x1DA00] =	vst v63  }
0x3d: {  	s18 =	rddreg [dreg:$0xb]  }
0x3e: {  	[spmem:s18] =	stream.linear.scatter [tilespmem:s22], [sflag:$0x7], $0x2000, $0x38;
	[tilespmem:$0x1DA00] =	vst v63  }
0x3f: {  	s19 =	rddreg [dreg:$0xc]  }
0x40: {  	[spmem:s19] =	stream.linear.scatter [tilespmem:s22], [sflag:$0x8], $0x2000, $0x38;
	[tilespmem:$0x1DA00] =	vst v63  }
0x41: {  	s17 =	rddreg [dreg:$0xd]  }
0x42: {  	[spmem:s17] =	stream.linear.scatter [tilespmem:s22], [sflag:$0x5], $0x2000, $0x38;
	[tilespmem:$0x1DA00] =	vst v63  }
0x43: {  	s18 =	rddreg [dreg:$0xe]  }
0x44: {  	[spmem:s18] =	stream.linear.scatter [tilespmem:s22], [sflag:$0x6], $0x2000, $0x38;
	[tilespmem:$0x1DA00] =	vst v63  }
0x45: {  	_ =	swait.ge [sflag:s23], $0x2000  }
0x46: {  	[sflag:s23] =	ssyncset.done $0x0  }
0x47: {  	[sflag:s23] =	ssyncadd.s32 $0xFFFFE000  }
0x48: {  	_ =	swait.ge [sflag:s23], $0x2000  }
0x49: {  	[sflag:s23] =	ssyncset.done $0x0  }
0x4a: {  	[sflag:s23] =	ssyncadd.s32 $0xFFFFE000  }
0x4b: {  	_ =	swait.ge [sflag:s23], $0x2000  }
0x4c: {  	[sflag:s23] =	ssyncset.done $0x0  }
0x4d: {  	[sflag:s23] =	ssyncadd.s32 $0xFFFFE000  }
0x4e: {  	_ =	swait.ge [sflag:s24], $0x2000  }
0x4f: {  	[sflag:s24] =	ssyncset.done $0x0  }
0x50: {  	[sflag:s24] =	ssyncadd.s32 $0xFFFFE000  }
0x51: {  	_ =	swait.ge [sflag:s24], $0x2000  }
0x52: {  	[sflag:s24] =	ssyncset.done $0x0  }
0x53: {  	[sflag:s24] =	ssyncadd.s32 $0xFFFFE000  }
0x54: {  	_ =	swait.ge [sflag:s24], $0x2000  }
0x55: {  	[sflag:s24] =	ssyncset.done $0x0  }
0x56: {  	[sflag:s24] =	ssyncadd.s32 $0xFFFFE000  }
0x57: {  	_ =	swait.ge [sflag:s25], $0x2000  }
0x58: {  	[sflag:s25] =	ssyncset.done $0x0  }
0x59: {  	[sflag:s25] =	ssyncadd.s32 $0xFFFFE000  }
0x5a: {  	_ =	swait.ge [sflag:s25], $0x2000  }
0x5b: {  	[sflag:s25] =	ssyncset.done $0x0  }
0x5c: {  	[sflag:s25] =	ssyncadd.s32 $0xFFFFE000  }
0x5d: {  	_ =	swait.ge [sflag:s26], $0x2000  }
0x5e: {  	[sflag:s26] =	ssyncset.done $0x0  }
0x5f: {  	[sflag:s26] =	ssyncadd.s32 $0xFFFFE000  }
0x60: {  	_ =	swait.ge [sflag:s26], $0x2000  }
0x61: {  	[sflag:s26] =	ssyncset.done $0x0  }
0x62: {  	[sflag:s26] =	ssyncadd.s32 $0xFFFFE000  }
0x63: {  	_ =	swait.ge [sflag:s28], $0x1A00  }
0x64: {  	[sflag:s28] =	ssyncset.done $0x0  }
0x65: {  	[sflag:s28] =	ssyncadd.s32 $0xFFFFE600  }
0x66: {  	[bflag:$0x0] =	sbarrier.arrive $0xFFFF  }
0x67: {  	[tilespmem:s22], [sflag:$0x1] =	stream.indirect.gather [hbm4b:s1+s29], $0x80, s21, s29, $0xb8;
	[tilespmem:$0x1DA00] =	vst v63  }
0x68: {  	_ = 	snop  }
0x69: {  	[tilespmem:s31], [sflag:$0x2] =	stream.indirect.gather [hbm4b:s1+s29], $0x80, s30, s29, $0xb8;
	[tilespmem:$0x1DA00] =	vst v63  }
0x6a: {  	_ = 	snop  }
0x6b: {  	[tilespmem:s4], [sflag:$0x3] =	stream.indirect.gather [hbm4b:s1+s29], $0x80, s0, s29, $0xb8;
	[tilespmem:$0x1DA00] =	vst v63  }
0x6c: {  	_ = 	snop  }
0x6d: {  	[tilespmem:s6], [sflag:$0x4] =	stream.indirect.gather [hbm4b:s1+s29], $0x80, s2, s29, $0xb8;
	[tilespmem:$0x1DA00] =	vst v63  }
0x6e: {  	_ =	swait.ge [sflag:s28], $0x2000  }
0x6f: {  	[sflag:s28] =	ssyncset.done $0x0  }
0x70: {  	s19 =	simm.s32 $0x14080;
	[sflag:s28] =	ssyncadd.s32 $0xFFFFE000  }
0x71: {  	[spmem:s3] =	stream.indirect.scatter.add.f32 [tilespmem:s22], [sflag:$0x5], $0x80, s19, s29, $0xb8;
	[tilespmem:$0x1DA00] =	vst v63  }
0x72: {  	_ =	swait.ge [sflag:s7], $0x2000  }
0x73: {  	[sflag:s7] =	ssyncset.done $0x0  }
0x74: {  	s17 =	simm.s32 $0x140C0;
	[sflag:s7] =	ssyncadd.s32 $0xFFFFE000  }
0x75: {  	[spmem:s3] =	stream.indirect.scatter.add.f32 [tilespmem:s31], [sflag:$0x6], $0x80, s17, s29, $0xb8;
	[tilespmem:$0x1DA00] =	vst v63  }
0x76: {  	_ =	swait.ge [sflag:s23], $0x2000  }
0x77: {  	[sflag:s23] =	ssyncset.done $0x0  }
0x78: {  	s18 =	simm.s32 $0x14200;
	[sflag:s23] =	ssyncadd.s32 $0xFFFFE000  }
0x79: {  	[tilespmem:s22], [sflag:$0x1] =	stream.indirect.gather [hbm4b:s1+s29], $0x80, s18, s29, $0xb8;
	[tilespmem:$0x1DA00] =	vst v63  }
0x7a: {  	_ =	swait.ge [sflag:s8], $0x2000  }
0x7b: {  	[sflag:s8] =	ssyncset.done $0x0  }
0x7c: {  	s19 =	simm.s32 $0x14180;
	[sflag:s8] =	ssyncadd.s32 $0xFFFFE000  }
0x7d: {  	[spmem:s3] =	stream.indirect.scatter.add.f32 [tilespmem:s4], [sflag:$0x7], $0x80, s19, s29, $0xb8;
	[tilespmem:$0x1DA00] =	vst v63  }
0x7e: {  	_ =	swait.ge [sflag:s24], $0x2000  }
0x7f: {  	[sflag:s24] =	ssyncset.done $0x0  }
0x80: {  	s17 =	simm.s32 $0x14240;
	[sflag:s24] =	ssyncadd.s32 $0xFFFFE000  }
0x81: {  	[tilespmem:s31], [sflag:$0x2] =	stream.indirect.gather [hbm4b:s1+s29], $0x80, s17, s29, $0xb8;
	[tilespmem:$0x1DA00] =	vst v63  }
0x82: {  	_ =	swait.ge [sflag:s9], $0x2000  }
0x83: {  	[sflag:s9] =	ssyncset.done $0x0  }
0x84: {  	s18 =	simm.s32 $0x141C0;
	[sflag:s9] =	ssyncadd.s32 $0xFFFFE000  }
0x85: {  	[spmem:s3] =	stream.indirect.scatter.add.f32 [tilespmem:s6], [sflag:$0x8], $0x80, s18, s29, $0xb8;
	[tilespmem:$0x1DA00] =	vst v63  }
0x86: {  	_ =	swait.ge [sflag:s25], $0x2000  }
0x87: {  	[sflag:s25] =	ssyncset.done $0x0  }
0x88: {  	s19 =	simm.s32 $0x14300;
	[sflag:s25] =	ssyncadd.s32 $0xFFFFE000  }
0x89: {  	[tilespmem:s4], [sflag:$0x3] =	stream.indirect.gather [hbm4b:s1+s29], $0x80, s19, s29, $0xb8;
	[tilespmem:$0x1DA00] =	vst v63  }
0x8a: {  	_ =	swait.ge [sflag:s26], $0x2000  }
0x8b: {  	[sflag:s26] =	ssyncset.done $0x0  }
0x8c: {  	s16 =	simm.s32 $0x800;
	s17 =	simm.s32 $0x14340;
	[sflag:s26] =	ssyncadd.s32 $0xFFFFE000  }
.LBB2_4:
0x8d: {  	[tilespmem:s6], [sflag:$0x4] =	stream.indirect.gather [hbm4b:s1+s29], $0x80, s17, s29, $0xb8;
	[tilespmem:$0x1DA00] =	vst v63  }
0x8e: {  	s17 =	smov.u32 s16  }
0x8f: {  	p1 =	sne.s32 s16, $0x5800;
	s16 =	sadd.s32 $0x800, s16;
	_ =	swait.ge [sflag:s28], $0x2000  }
0x90: {  	s17 =	sshra.s32 s17, $0x2;
	[sflag:s28] =	ssyncset.done $0x0  }
0x91: {  	s18 =	sadd.s32 $0x14080, s17;
	[sflag:s28] =	ssyncadd.s32 $0xFFFFE000  }
0x92: {  	[spmem:s3] =	stream.indirect.scatter.add.f32 [tilespmem:s22], [sflag:$0x5], $0x80, s18, s29, $0xb8;
	[tilespmem:$0x1DA00] =	vst v63  }
0x93: {  	_ =	swait.ge [sflag:s7], $0x2000  }
0x94: {  	[sflag:s7] =	ssyncset.done $0x0  }
0x95: {  	s18 =	sadd.s32 $0x140C0, s17;
	[sflag:s7] =	ssyncadd.s32 $0xFFFFE000  }
0x96: {  	[spmem:s3] =	stream.indirect.scatter.add.f32 [tilespmem:s31], [sflag:$0x6], $0x80, s18, s29, $0xb8;
	[tilespmem:$0x1DA00] =	vst v63  }
0x97: {  	_ =	swait.ge [sflag:s23], $0x2000  }
0x98: {  	[sflag:s23] =	ssyncset.done $0x0  }
0x99: {  	s18 =	sadd.s32 $0x14200, s17;
	[sflag:s23] =	ssyncadd.s32 $0xFFFFE000  }
0x9a: {  	[tilespmem:s22], [sflag:$0x1] =	stream.indirect.gather [hbm4b:s1+s29], $0x80, s18, s29, $0xb8;
	[tilespmem:$0x1DA00] =	vst v63  }
0x9b: {  	_ =	swait.ge [sflag:s8], $0x2000  }
0x9c: {  	[sflag:s8] =	ssyncset.done $0x0  }
0x9d: {  	s18 =	sadd.s32 $0x14180, s17;
	[sflag:s8] =	ssyncadd.s32 $0xFFFFE000  }
0x9e: {  	[spmem:s3] =	stream.indirect.scatter.add.f32 [tilespmem:s4], [sflag:$0x7], $0x80, s18, s29, $0xb8;
	[tilespmem:$0x1DA00] =	vst v63  }
0x9f: {  	_ =	swait.ge [sflag:s24], $0x2000  }
0xa0: {  	[sflag:s24] =	ssyncset.done $0x0  }
0xa1: {  	s18 =	sadd.s32 $0x14240, s17;
	[sflag:s24] =	ssyncadd.s32 $0xFFFFE000  }
0xa2: {  	[tilespmem:s31], [sflag:$0x2] =	stream.indirect.gather [hbm4b:s1+s29], $0x80, s18, s29, $0xb8;
	[tilespmem:$0x1DA00] =	vst v63  }
0xa3: {  	_ =	swait.ge [sflag:s9], $0x2000  }
0xa4: {  	[sflag:s9] =	ssyncset.done $0x0  }
0xa5: {  	s18 =	sadd.s32 $0x141C0, s17;
	[sflag:s9] =	ssyncadd.s32 $0xFFFFE000  }
0xa6: {  	[spmem:s3] =	stream.indirect.scatter.add.f32 [tilespmem:s6], [sflag:$0x8], $0x80, s18, s29, $0xb8;
	[tilespmem:$0x1DA00] =	vst v63  }
0xa7: {  	_ =	swait.ge [sflag:s25], $0x2000  }
0xa8: {  	[sflag:s25] =	ssyncset.done $0x0  }
.Ltmp1:
0xa9: {  	s18 =	sadd.s32 $0x14300, s17;
	[sflag:s25] =	ssyncadd.s32 $0xFFFFE000;
	(pc) =	sbr.rel @p1 .LBB2_4-.Ltmp1, $4  }
0xaa: {  	[tilespmem:s4], [sflag:$0x3] =	stream.indirect.gather [hbm4b:s1+s29], $0x80, s18, s29, $0xb8;
	[tilespmem:$0x1DA00] =	vst v63  }
0xab: {  	_ =	swait.ge [sflag:s26], $0x2000  }
0xac: {  	[sflag:s26] =	ssyncset.done $0x0  }
0xad: {  	s17 =	sadd.s32 $0x14340, s17;
	[sflag:s26] =	ssyncadd.s32 $0xFFFFE000  }
0xae: {  	[tilespmem:s6], [sflag:$0x4] =	stream.indirect.gather [hbm4b:s1+s29], $0x80, s17, s29, $0xb8;
	[tilespmem:$0x1DA00] =	vst v63  }
0xaf: {  	_ =	swait.ge [sflag:s28], $0x2000  }
0xb0: {  	[sflag:s28] =	ssyncset.done $0x0  }
0xb1: {  	[sflag:s28] =	ssyncadd.s32 $0xFFFFE000  }
0xb2: {  	[spmem:s3] =	stream.indirect.scatter.add.f32 [tilespmem:s22], [sflag:$0x5], $0x80, s10, s29, $0xb8;
	[tilespmem:$0x1DA00] =	vst v63  }
0xb3: {  	_ =	swait.ge [sflag:s7], $0x2000  }
0xb4: {  	[sflag:s7] =	ssyncset.done $0x0  }
0xb5: {  	[sflag:s7] =	ssyncadd.s32 $0xFFFFE000  }
0xb6: {  	[spmem:s3] =	stream.indirect.scatter.add.f32 [tilespmem:s31], [sflag:$0x6], $0x80, s11, s29, $0xb8;
	[tilespmem:$0x1DA00] =	vst v63  }
0xb7: {  	_ =	swait.ge [sflag:s8], $0x2000  }
0xb8: {  	[sflag:s8] =	ssyncset.done $0x0  }
0xb9: {  	[sflag:s8] =	ssyncadd.s32 $0xFFFFE000  }
0xba: {  	[spmem:s3] =	stream.indirect.scatter.add.f32 [tilespmem:s4], [sflag:$0x7], $0x80, s12, s29, $0xb8;
	[tilespmem:$0x1DA00] =	vst v63  }
0xbb: {  	_ =	swait.ge [sflag:s9], $0x2000  }
0xbc: {  	[sflag:s9] =	ssyncset.done $0x0  }
0xbd: {  	[sflag:s9] =	ssyncadd.s32 $0xFFFFE000  }
0xbe: {  	[spmem:s3] =	stream.indirect.scatter.add.f32 [tilespmem:s6], [sflag:$0x8], $0x80, s13, s29, $0xb8;
	[tilespmem:$0x1DA00] =	vst v63  }
0xbf: {  	_ =	swait.ge [sflag:s23], $0x2000  }
0xc0: {  	[sflag:s23] =	ssyncset.done $0x0  }
0xc1: {  	[sflag:s23] =	ssyncadd.s32 $0xFFFFE000  }
0xc2: {  	_ =	swait.ge [sflag:s24], $0x2000  }
0xc3: {  	[sflag:s24] =	ssyncset.done $0x0  }
0xc4: {  	[sflag:s24] =	ssyncadd.s32 $0xFFFFE000  }
0xc5: {  	_ =	swait.ge [sflag:s25], $0x2000  }
0xc6: {  	[sflag:s25] =	ssyncset.done $0x0  }
0xc7: {  	[sflag:s25] =	ssyncadd.s32 $0xFFFFE000  }
0xc8: {  	_ =	swait.ge [sflag:s26], $0x2000  }
0xc9: {  	[sflag:s26] =	ssyncset.done $0x0  }
0xca: {  	s16 =	simm.s32 $0x0;
	s18 =	rddreg [dreg:$0xf];
	[sflag:s26] =	ssyncadd.s32 $0xFFFFE000  }
0xcb: {  	[tilespmem:s21], [sflag:$0x9] =	stream.linear.gather [hbm4b:s18+s16], $0x1A00, $0x38;
	[tilespmem:$0x1DA00] =	vst v63  }
0xcc: {  	_ =	swait.ge [sflag:s14], $0x1A00  }
0xcd: {  	[sflag:s14] =	ssyncset.done $0x0  }
0xce: {  	[sflag:s14] =	ssyncadd.s32 $0xFFFFE600  }
0xcf: {  	[tilespmem:s22], [sflag:$0x1] =	stream.indirect.gather [hbm4b:s1+s29], $0x80, s21, s29, $0xb8;
	[tilespmem:$0x1DA00] =	vst v63  }
0xd0: {  	_ = 	snop  }
0xd1: {  	[tilespmem:s31], [sflag:$0x2] =	stream.indirect.gather [hbm4b:s1+s29], $0x80, s30, s29, $0xb8;
	[tilespmem:$0x1DA00] =	vst v63  }
0xd2: {  	_ = 	snop  }
0xd3: {  	[tilespmem:s4], [sflag:$0x3] =	stream.indirect.gather [hbm4b:s1+s29], $0x80, s0, s29, $0xb8;
	[tilespmem:$0x1DA00] =	vst v63  }
0xd4: {  	_ = 	snop  }
0xd5: {  	[tilespmem:s6], [sflag:$0x4] =	stream.indirect.gather [hbm4b:s1+s29], $0x80, s2, s29, $0xb8;
	[tilespmem:$0x1DA00] =	vst v63  }
0xd6: {  	_ =	swait.ge [sflag:s28], $0x2000  }
0xd7: {  	[sflag:s28] =	ssyncset.done $0x0  }
0xd8: {  	s19 =	simm.s32 $0x14080;
	[sflag:s28] =	ssyncadd.s32 $0xFFFFE000  }
0xd9: {  	[spmem:s3] =	stream.indirect.scatter.add.f32 [tilespmem:s22], [sflag:$0x5], $0x80, s19, s29, $0xb8;
	[tilespmem:$0x1DA00] =	vst v63  }
0xda: {  	_ =	swait.ge [sflag:s7], $0x2000  }
0xdb: {  	[sflag:s7] =	ssyncset.done $0x0  }
0xdc: {  	s17 =	simm.s32 $0x140C0;
	[sflag:s7] =	ssyncadd.s32 $0xFFFFE000  }
0xdd: {  	[spmem:s3] =	stream.indirect.scatter.add.f32 [tilespmem:s31], [sflag:$0x6], $0x80, s17, s29, $0xb8;
	[tilespmem:$0x1DA00] =	vst v63  }
0xde: {  	_ =	swait.ge [sflag:s23], $0x2000  }
0xdf: {  	[sflag:s23] =	ssyncset.done $0x0  }
0xe0: {  	s18 =	simm.s32 $0x14200;
	[sflag:s23] =	ssyncadd.s32 $0xFFFFE000  }
0xe1: {  	[tilespmem:s22], [sflag:$0x1] =	stream.indirect.gather [hbm4b:s1+s29], $0x80, s18, s29, $0xb8;
	[tilespmem:$0x1DA00] =	vst v63  }
0xe2: {  	_ =	swait.ge [sflag:s8], $0x2000  }
0xe3: {  	[sflag:s8] =	ssyncset.done $0x0  }
0xe4: {  	s19 =	simm.s32 $0x14180;
	[sflag:s8] =	ssyncadd.s32 $0xFFFFE000  }
0xe5: {  	[spmem:s3] =	stream.indirect.scatter.add.f32 [tilespmem:s4], [sflag:$0x7], $0x80, s19, s29, $0xb8;
	[tilespmem:$0x1DA00] =	vst v63  }
0xe6: {  	_ =	swait.ge [sflag:s24], $0x2000  }
0xe7: {  	[sflag:s24] =	ssyncset.done $0x0  }
0xe8: {  	s17 =	simm.s32 $0x14240;
	[sflag:s24] =	ssyncadd.s32 $0xFFFFE000  }
0xe9: {  	[tilespmem:s31], [sflag:$0x2] =	stream.indirect.gather [hbm4b:s1+s29], $0x80, s17, s29, $0xb8;
	[tilespmem:$0x1DA00] =	vst v63  }
0xea: {  	_ =	swait.ge [sflag:s9], $0x2000  }
0xeb: {  	[sflag:s9] =	ssyncset.done $0x0  }
0xec: {  	s18 =	simm.s32 $0x141C0;
	[sflag:s9] =	ssyncadd.s32 $0xFFFFE000  }
0xed: {  	[spmem:s3] =	stream.indirect.scatter.add.f32 [tilespmem:s6], [sflag:$0x8], $0x80, s18, s29, $0xb8;
	[tilespmem:$0x1DA00] =	vst v63  }
0xee: {  	_ =	swait.ge [sflag:s25], $0x2000  }
0xef: {  	[sflag:s25] =	ssyncset.done $0x0  }
0xf0: {  	s19 =	simm.s32 $0x14300;
	[sflag:s25] =	ssyncadd.s32 $0xFFFFE000  }
0xf1: {  	[tilespmem:s4], [sflag:$0x3] =	stream.indirect.gather [hbm4b:s1+s29], $0x80, s19, s29, $0xb8;
	[tilespmem:$0x1DA00] =	vst v63  }
0xf2: {  	_ =	swait.ge [sflag:s26], $0x2000  }
0xf3: {  	[sflag:s26] =	ssyncset.done $0x0  }
0xf4: {  	s16 =	simm.s32 $0x800;
	s17 =	simm.s32 $0x14340;
	[sflag:s26] =	ssyncadd.s32 $0xFFFFE000  }
.LBB2_6:
0xf5: {  	[tilespmem:s6], [sflag:$0x4] =	stream.indirect.gather [hbm4b:s1+s29], $0x80, s17, s29, $0xb8;
	[tilespmem:$0x1DA00] =	vst v63  }
0xf6: {  	s17 =	smov.u32 s16  }
0xf7: {  	p1 =	sne.s32 s16, $0x5800;
	s16 =	sadd.s32 $0x800, s16;
	_ =	swait.ge [sflag:s28], $0x2000  }
0xf8: {  	s17 =	sshra.s32 s17, $0x2;
	[sflag:s28] =	ssyncset.done $0x0  }
0xf9: {  	s18 =	sadd.s32 $0x14080, s17;
	[sflag:s28] =	ssyncadd.s32 $0xFFFFE000  }
0xfa: {  	[spmem:s3] =	stream.indirect.scatter.add.f32 [tilespmem:s22], [sflag:$0x5], $0x80, s18, s29, $0xb8;
	[tilespmem:$0x1DA00] =	vst v63  }
0xfb: {  	_ =	swait.ge [sflag:s7], $0x2000  }
0xfc: {  	[sflag:s7] =	ssyncset.done $0x0  }
0xfd: {  	s18 =	sadd.s32 $0x140C0, s17;
	[sflag:s7] =	ssyncadd.s32 $0xFFFFE000  }
0xfe: {  	[spmem:s3] =	stream.indirect.scatter.add.f32 [tilespmem:s31], [sflag:$0x6], $0x80, s18, s29, $0xb8;
	[tilespmem:$0x1DA00] =	vst v63  }
0xff: {  	_ =	swait.ge [sflag:s23], $0x2000  }
0x100: {  	[sflag:s23] =	ssyncset.done $0x0  }
0x101: {  	s18 =	sadd.s32 $0x14200, s17;
	[sflag:s23] =	ssyncadd.s32 $0xFFFFE000  }
0x102: {  	[tilespmem:s22], [sflag:$0x1] =	stream.indirect.gather [hbm4b:s1+s29], $0x80, s18, s29, $0xb8;
	[tilespmem:$0x1DA00] =	vst v63  }
0x103: {  	_ =	swait.ge [sflag:s8], $0x2000  }
0x104: {  	[sflag:s8] =	ssyncset.done $0x0  }
0x105: {  	s18 =	sadd.s32 $0x14180, s17;
	[sflag:s8] =	ssyncadd.s32 $0xFFFFE000  }
0x106: {  	[spmem:s3] =	stream.indirect.scatter.add.f32 [tilespmem:s4], [sflag:$0x7], $0x80, s18, s29, $0xb8;
	[tilespmem:$0x1DA00] =	vst v63  }
0x107: {  	_ =	swait.ge [sflag:s24], $0x2000  }
0x108: {  	[sflag:s24] =	ssyncset.done $0x0  }
0x109: {  	s18 =	sadd.s32 $0x14240, s17;
	[sflag:s24] =	ssyncadd.s32 $0xFFFFE000  }
0x10a: {  	[tilespmem:s31], [sflag:$0x2] =	stream.indirect.gather [hbm4b:s1+s29], $0x80, s18, s29, $0xb8;
	[tilespmem:$0x1DA00] =	vst v63  }
0x10b: {  	_ =	swait.ge [sflag:s9], $0x2000  }
0x10c: {  	[sflag:s9] =	ssyncset.done $0x0  }
0x10d: {  	s18 =	sadd.s32 $0x141C0, s17;
	[sflag:s9] =	ssyncadd.s32 $0xFFFFE000  }
0x10e: {  	[spmem:s3] =	stream.indirect.scatter.add.f32 [tilespmem:s6], [sflag:$0x8], $0x80, s18, s29, $0xb8;
	[tilespmem:$0x1DA00] =	vst v63  }
0x10f: {  	_ =	swait.ge [sflag:s25], $0x2000  }
0x110: {  	[sflag:s25] =	ssyncset.done $0x0  }
.Ltmp2:
0x111: {  	s18 =	sadd.s32 $0x14300, s17;
	[sflag:s25] =	ssyncadd.s32 $0xFFFFE000;
	(pc) =	sbr.rel @p1 .LBB2_6-.Ltmp2, $4  }
0x112: {  	[tilespmem:s4], [sflag:$0x3] =	stream.indirect.gather [hbm4b:s1+s29], $0x80, s18, s29, $0xb8;
	[tilespmem:$0x1DA00] =	vst v63  }
0x113: {  	_ =	swait.ge [sflag:s26], $0x2000  }
0x114: {  	[sflag:s26] =	ssyncset.done $0x0  }
0x115: {  	s17 =	sadd.s32 $0x14340, s17;
	[sflag:s26] =	ssyncadd.s32 $0xFFFFE000  }
0x116: {  	[tilespmem:s6], [sflag:$0x4] =	stream.indirect.gather [hbm4b:s1+s29], $0x80, s17, s29, $0xb8;
	[tilespmem:$0x1DA00] =	vst v63  }
0x117: {  	_ =	swait.ge [sflag:s28], $0x2000  }
0x118: {  	[sflag:s28] =	ssyncset.done $0x0  }
0x119: {  	[sflag:s28] =	ssyncadd.s32 $0xFFFFE000  }
0x11a: {  	[spmem:s3] =	stream.indirect.scatter.add.f32 [tilespmem:s22], [sflag:$0x5], $0x80, s10, s29, $0xb8;
	[tilespmem:$0x1DA00] =	vst v63  }
0x11b: {  	_ =	swait.ge [sflag:s7], $0x2000  }
0x11c: {  	[sflag:s7] =	ssyncset.done $0x0  }
0x11d: {  	[sflag:s7] =	ssyncadd.s32 $0xFFFFE000  }
0x11e: {  	[spmem:s3] =	stream.indirect.scatter.add.f32 [tilespmem:s31], [sflag:$0x6], $0x80, s11, s29, $0xb8;
	[tilespmem:$0x1DA00] =	vst v63  }
0x11f: {  	_ =	swait.ge [sflag:s8], $0x2000  }
0x120: {  	[sflag:s8] =	ssyncset.done $0x0  }
0x121: {  	[sflag:s8] =	ssyncadd.s32 $0xFFFFE000  }
0x122: {  	[spmem:s3] =	stream.indirect.scatter.add.f32 [tilespmem:s4], [sflag:$0x7], $0x80, s12, s29, $0xb8;
	[tilespmem:$0x1DA00] =	vst v63  }
0x123: {  	_ =	swait.ge [sflag:s9], $0x2000  }
0x124: {  	[sflag:s9] =	ssyncset.done $0x0  }
0x125: {  	[sflag:s9] =	ssyncadd.s32 $0xFFFFE000  }
0x126: {  	[spmem:s3] =	stream.indirect.scatter.add.f32 [tilespmem:s6], [sflag:$0x8], $0x80, s13, s29, $0xb8;
	[tilespmem:$0x1DA00] =	vst v63  }
0x127: {  	_ =	swait.ge [sflag:s23], $0x2000  }
0x128: {  	[sflag:s23] =	ssyncset.done $0x0  }
0x129: {  	[sflag:s23] =	ssyncadd.s32 $0xFFFFE000  }
0x12a: {  	_ =	swait.ge [sflag:s24], $0x2000  }
0x12b: {  	[sflag:s24] =	ssyncset.done $0x0  }
0x12c: {  	[sflag:s24] =	ssyncadd.s32 $0xFFFFE000  }
0x12d: {  	_ =	swait.ge [sflag:s25], $0x2000  }
0x12e: {  	[sflag:s25] =	ssyncset.done $0x0  }
0x12f: {  	[sflag:s25] =	ssyncadd.s32 $0xFFFFE000  }
0x130: {  	_ =	swait.ge [sflag:s26], $0x2000  }
0x131: {  	[sflag:s26] =	ssyncset.done $0x0  }
0x132: {  	s16 =	simm.s32 $0x0;
	s18 =	rddreg [dreg:$0x10];
	[sflag:s26] =	ssyncadd.s32 $0xFFFFE000  }
0x133: {  	[tilespmem:s21], [sflag:$0x9] =	stream.linear.gather [hbm4b:s18+s16], $0x1A00, $0x38;
	[tilespmem:$0x1DA00] =	vst v63  }
0x134: {  	_ =	swait.ge [sflag:s14], $0x1A00  }
0x135: {  	[sflag:s14] =	ssyncset.done $0x0  }
0x136: {  	[sflag:s14] =	ssyncadd.s32 $0xFFFFE600  }
0x137: {  	[tilespmem:s22], [sflag:$0x1] =	stream.indirect.gather [hbm4b:s1+s29], $0x80, s21, s29, $0xb8;
	[tilespmem:$0x1DA00] =	vst v63  }
0x138: {  	_ = 	snop  }
0x139: {  	[tilespmem:s31], [sflag:$0x2] =	stream.indirect.gather [hbm4b:s1+s29], $0x80, s30, s29, $0xb8;
	[tilespmem:$0x1DA00] =	vst v63  }
0x13a: {  	_ = 	snop  }
0x13b: {  	[tilespmem:s4], [sflag:$0x3] =	stream.indirect.gather [hbm4b:s1+s29], $0x80, s0, s29, $0xb8;
	[tilespmem:$0x1DA00] =	vst v63  }
0x13c: {  	_ = 	snop  }
0x13d: {  	[tilespmem:s6], [sflag:$0x4] =	stream.indirect.gather [hbm4b:s1+s29], $0x80, s2, s29, $0xb8;
	[tilespmem:$0x1DA00] =	vst v63  }
0x13e: {  	_ =	swait.ge [sflag:s28], $0x2000  }
0x13f: {  	[sflag:s28] =	ssyncset.done $0x0  }
0x140: {  	s19 =	simm.s32 $0x14080;
	[sflag:s28] =	ssyncadd.s32 $0xFFFFE000  }
0x141: {  	[spmem:s3] =	stream.indirect.scatter.add.f32 [tilespmem:s22], [sflag:$0x5], $0x80, s19, s29, $0xb8;
	[tilespmem:$0x1DA00] =	vst v63  }
0x142: {  	_ =	swait.ge [sflag:s7], $0x2000  }
0x143: {  	[sflag:s7] =	ssyncset.done $0x0  }
0x144: {  	s17 =	simm.s32 $0x140C0;
	[sflag:s7] =	ssyncadd.s32 $0xFFFFE000  }
0x145: {  	[spmem:s3] =	stream.indirect.scatter.add.f32 [tilespmem:s31], [sflag:$0x6], $0x80, s17, s29, $0xb8;
	[tilespmem:$0x1DA00] =	vst v63  }
0x146: {  	_ =	swait.ge [sflag:s23], $0x2000  }
0x147: {  	[sflag:s23] =	ssyncset.done $0x0  }
0x148: {  	s18 =	simm.s32 $0x14200;
	[sflag:s23] =	ssyncadd.s32 $0xFFFFE000  }
0x149: {  	[tilespmem:s22], [sflag:$0x1] =	stream.indirect.gather [hbm4b:s1+s29], $0x80, s18, s29, $0xb8;
	[tilespmem:$0x1DA00] =	vst v63  }
0x14a: {  	_ =	swait.ge [sflag:s8], $0x2000  }
0x14b: {  	[sflag:s8] =	ssyncset.done $0x0  }
0x14c: {  	s19 =	simm.s32 $0x14180;
	[sflag:s8] =	ssyncadd.s32 $0xFFFFE000  }
0x14d: {  	[spmem:s3] =	stream.indirect.scatter.add.f32 [tilespmem:s4], [sflag:$0x7], $0x80, s19, s29, $0xb8;
	[tilespmem:$0x1DA00] =	vst v63  }
0x14e: {  	_ =	swait.ge [sflag:s24], $0x2000  }
0x14f: {  	[sflag:s24] =	ssyncset.done $0x0  }
0x150: {  	s17 =	simm.s32 $0x14240;
	[sflag:s24] =	ssyncadd.s32 $0xFFFFE000  }
0x151: {  	[tilespmem:s31], [sflag:$0x2] =	stream.indirect.gather [hbm4b:s1+s29], $0x80, s17, s29, $0xb8;
	[tilespmem:$0x1DA00] =	vst v63  }
0x152: {  	_ =	swait.ge [sflag:s9], $0x2000  }
0x153: {  	[sflag:s9] =	ssyncset.done $0x0  }
0x154: {  	s18 =	simm.s32 $0x141C0;
	[sflag:s9] =	ssyncadd.s32 $0xFFFFE000  }
0x155: {  	[spmem:s3] =	stream.indirect.scatter.add.f32 [tilespmem:s6], [sflag:$0x8], $0x80, s18, s29, $0xb8;
	[tilespmem:$0x1DA00] =	vst v63  }
0x156: {  	_ =	swait.ge [sflag:s25], $0x2000  }
0x157: {  	[sflag:s25] =	ssyncset.done $0x0  }
0x158: {  	s19 =	simm.s32 $0x14300;
	[sflag:s25] =	ssyncadd.s32 $0xFFFFE000  }
0x159: {  	[tilespmem:s4], [sflag:$0x3] =	stream.indirect.gather [hbm4b:s1+s29], $0x80, s19, s29, $0xb8;
	[tilespmem:$0x1DA00] =	vst v63  }
0x15a: {  	_ =	swait.ge [sflag:s26], $0x2000  }
0x15b: {  	[sflag:s26] =	ssyncset.done $0x0  }
0x15c: {  	s16 =	simm.s32 $0x800;
	s17 =	simm.s32 $0x14340;
	[sflag:s26] =	ssyncadd.s32 $0xFFFFE000  }
.LBB2_8:
0x15d: {  	[tilespmem:s6], [sflag:$0x4] =	stream.indirect.gather [hbm4b:s1+s29], $0x80, s17, s29, $0xb8;
	[tilespmem:$0x1DA00] =	vst v63  }
0x15e: {  	s17 =	smov.u32 s16  }
0x15f: {  	p1 =	sne.s32 s16, $0x5800;
	s16 =	sadd.s32 $0x800, s16;
	_ =	swait.ge [sflag:s28], $0x2000  }
0x160: {  	s17 =	sshra.s32 s17, $0x2;
	[sflag:s28] =	ssyncset.done $0x0  }
0x161: {  	s18 =	sadd.s32 $0x14080, s17;
	[sflag:s28] =	ssyncadd.s32 $0xFFFFE000  }
0x162: {  	[spmem:s3] =	stream.indirect.scatter.add.f32 [tilespmem:s22], [sflag:$0x5], $0x80, s18, s29, $0xb8;
	[tilespmem:$0x1DA00] =	vst v63  }
0x163: {  	_ =	swait.ge [sflag:s7], $0x2000  }
0x164: {  	[sflag:s7] =	ssyncset.done $0x0  }
0x165: {  	s18 =	sadd.s32 $0x140C0, s17;
	[sflag:s7] =	ssyncadd.s32 $0xFFFFE000  }
0x166: {  	[spmem:s3] =	stream.indirect.scatter.add.f32 [tilespmem:s31], [sflag:$0x6], $0x80, s18, s29, $0xb8;
	[tilespmem:$0x1DA00] =	vst v63  }
0x167: {  	_ =	swait.ge [sflag:s23], $0x2000  }
0x168: {  	[sflag:s23] =	ssyncset.done $0x0  }
0x169: {  	s18 =	sadd.s32 $0x14200, s17;
	[sflag:s23] =	ssyncadd.s32 $0xFFFFE000  }
0x16a: {  	[tilespmem:s22], [sflag:$0x1] =	stream.indirect.gather [hbm4b:s1+s29], $0x80, s18, s29, $0xb8;
	[tilespmem:$0x1DA00] =	vst v63  }
0x16b: {  	_ =	swait.ge [sflag:s8], $0x2000  }
0x16c: {  	[sflag:s8] =	ssyncset.done $0x0  }
0x16d: {  	s18 =	sadd.s32 $0x14180, s17;
	[sflag:s8] =	ssyncadd.s32 $0xFFFFE000  }
0x16e: {  	[spmem:s3] =	stream.indirect.scatter.add.f32 [tilespmem:s4], [sflag:$0x7], $0x80, s18, s29, $0xb8;
	[tilespmem:$0x1DA00] =	vst v63  }
0x16f: {  	_ =	swait.ge [sflag:s24], $0x2000  }
0x170: {  	[sflag:s24] =	ssyncset.done $0x0  }
0x171: {  	s18 =	sadd.s32 $0x14240, s17;
	[sflag:s24] =	ssyncadd.s32 $0xFFFFE000  }
0x172: {  	[tilespmem:s31], [sflag:$0x2] =	stream.indirect.gather [hbm4b:s1+s29], $0x80, s18, s29, $0xb8;
	[tilespmem:$0x1DA00] =	vst v63  }
0x173: {  	_ =	swait.ge [sflag:s9], $0x2000  }
0x174: {  	[sflag:s9] =	ssyncset.done $0x0  }
0x175: {  	s18 =	sadd.s32 $0x141C0, s17;
	[sflag:s9] =	ssyncadd.s32 $0xFFFFE000  }
0x176: {  	[spmem:s3] =	stream.indirect.scatter.add.f32 [tilespmem:s6], [sflag:$0x8], $0x80, s18, s29, $0xb8;
	[tilespmem:$0x1DA00] =	vst v63  }
0x177: {  	_ =	swait.ge [sflag:s25], $0x2000  }
0x178: {  	[sflag:s25] =	ssyncset.done $0x0  }
.Ltmp3:
0x179: {  	s18 =	sadd.s32 $0x14300, s17;
	[sflag:s25] =	ssyncadd.s32 $0xFFFFE000;
	(pc) =	sbr.rel @p1 .LBB2_8-.Ltmp3, $4  }
0x17a: {  	[tilespmem:s4], [sflag:$0x3] =	stream.indirect.gather [hbm4b:s1+s29], $0x80, s18, s29, $0xb8;
	[tilespmem:$0x1DA00] =	vst v63  }
0x17b: {  	_ =	swait.ge [sflag:s26], $0x2000  }
0x17c: {  	[sflag:s26] =	ssyncset.done $0x0  }
0x17d: {  	s17 =	sadd.s32 $0x14340, s17;
	[sflag:s26] =	ssyncadd.s32 $0xFFFFE000  }
0x17e: {  	[tilespmem:s6], [sflag:$0x4] =	stream.indirect.gather [hbm4b:s1+s29], $0x80, s17, s29, $0xb8;
	[tilespmem:$0x1DA00] =	vst v63  }
0x17f: {  	_ =	swait.ge [sflag:s28], $0x2000  }
0x180: {  	[sflag:s28] =	ssyncset.done $0x0  }
0x181: {  	[sflag:s28] =	ssyncadd.s32 $0xFFFFE000  }
0x182: {  	[spmem:s3] =	stream.indirect.scatter.add.f32 [tilespmem:s22], [sflag:$0x5], $0x80, s10, s29, $0xb8;
	[tilespmem:$0x1DA00] =	vst v63  }
0x183: {  	_ =	swait.ge [sflag:s7], $0x2000  }
0x184: {  	[sflag:s7] =	ssyncset.done $0x0  }
0x185: {  	[sflag:s7] =	ssyncadd.s32 $0xFFFFE000  }
0x186: {  	[spmem:s3] =	stream.indirect.scatter.add.f32 [tilespmem:s31], [sflag:$0x6], $0x80, s11, s29, $0xb8;
	[tilespmem:$0x1DA00] =	vst v63  }
0x187: {  	_ =	swait.ge [sflag:s8], $0x2000  }
0x188: {  	[sflag:s8] =	ssyncset.done $0x0  }
0x189: {  	[sflag:s8] =	ssyncadd.s32 $0xFFFFE000  }
0x18a: {  	[spmem:s3] =	stream.indirect.scatter.add.f32 [tilespmem:s4], [sflag:$0x7], $0x80, s12, s29, $0xb8;
	[tilespmem:$0x1DA00] =	vst v63  }
0x18b: {  	_ =	swait.ge [sflag:s9], $0x2000  }
0x18c: {  	[sflag:s9] =	ssyncset.done $0x0  }
0x18d: {  	[sflag:s9] =	ssyncadd.s32 $0xFFFFE000  }
0x18e: {  	[spmem:s3] =	stream.indirect.scatter.add.f32 [tilespmem:s6], [sflag:$0x8], $0x80, s13, s29, $0xb8;
	[tilespmem:$0x1DA00] =	vst v63  }
0x18f: {  	_ =	swait.ge [sflag:s23], $0x2000  }
0x190: {  	[sflag:s23] =	ssyncset.done $0x0  }
0x191: {  	[sflag:s23] =	ssyncadd.s32 $0xFFFFE000  }
0x192: {  	_ =	swait.ge [sflag:s24], $0x2000  }
0x193: {  	[sflag:s24] =	ssyncset.done $0x0  }
0x194: {  	[sflag:s24] =	ssyncadd.s32 $0xFFFFE000  }
0x195: {  	_ =	swait.ge [sflag:s25], $0x2000  }
0x196: {  	[sflag:s25] =	ssyncset.done $0x0  }
0x197: {  	[sflag:s25] =	ssyncadd.s32 $0xFFFFE000  }
0x198: {  	_ =	swait.ge [sflag:s26], $0x2000  }
0x199: {  	s16 =	simm.s32 @!p0 $0x0;
	[sflag:s26] =	ssyncset.done $0x0  }
0x19a: {  	s17 =	simm.s32 @!p0 $0x14000;
	s18 =	rddreg [dreg:$0x11];
	[sflag:s26] =	ssyncadd.s32 $0xFFFFE000  }
0x19b: {  	[tilespmem:s17], [sflag:$0x9] =	stream.linear.gather @!p0 [hbm4b:s18+s16], $0x100, $0x38;
	[tilespmem:$0x1DA00] =	vst v63  }
0x19c: {  	s16 =	simm.s32 @!p0 $0x9  }
0x19d: {  	_ =	swait.ge @!p0 [sflag:s16], $0x100  }
0x19e: {  	[sflag:s16] =	ssyncset.done @!p0 $0x0  }
0x19f: {  	s19 =	simm.s32 @!p0 $0x15A00;
	s18 =	simm.s32 @!p0 $0x40;
	[sflag:s16] =	ssyncadd.s32 @!p0 $0xFFFFFF00  }
0x1a0: {  	[tilespmem:s19], [sflag:$0x9] =	stream.indirect.gather @!p0 [hbm4b:s1+s18], $0x80, s17, s18, $0xb8;
	[tilespmem:$0x1DA00] =	vst v63  }
0x1a1: {  	_ =	swait.ge @!p0 [sflag:s16], $0x2000  }
0x1a2: {  	[sflag:s16] =	ssyncset.done @!p0 $0x0  }
0x1a3: {  	s17 =	simm.s32 @!p0 $0x14080;
	[sflag:s16] =	ssyncadd.s32 @!p0 $0xFFFFE000  }
0x1a4: {  	[spmem:s3] =	stream.indirect.scatter.add.f32 @!p0 [tilespmem:s19], [sflag:$0x9], $0x80, s17, s18, $0xb8;
	[tilespmem:$0x1DA00] =	vst v63  }
0x1a5: {  	_ =	swait.ge @!p0 [sflag:s16], $0x2000  }
0x1a6: {  	[sflag:s16] =	ssyncset.done @!p0 $0x0  }
0x1a7: {  	s17 =	simm.s32 @!p0 $0x14040;
	s19 =	simm.s32 @!p0 $0x17A00;
	[sflag:s16] =	ssyncadd.s32 @!p0 $0xFFFFE000  }
0x1a8: {  	[tilespmem:s19], [sflag:$0x9] =	stream.indirect.gather @!p0 [hbm4b:s1+s18], $0x80, s17, s18, $0xb8;
	[tilespmem:$0x1DA00] =	vst v63  }
0x1a9: {  	_ =	swait.ge @!p0 [sflag:s16], $0x2000  }
0x1aa: {  	[sflag:s16] =	ssyncset.done @!p0 $0x0  }
0x1ab: {  	s17 =	simm.s32 @!p0 $0x140C0;
	[sflag:s16] =	ssyncadd.s32 @!p0 $0xFFFFE000  }
0x1ac: {  	[spmem:s3] =	stream.indirect.scatter.add.f32 @!p0 [tilespmem:s19], [sflag:$0x9], $0x80, s17, s18, $0xb8;
	[tilespmem:$0x1DA00] =	vst v63  }
0x1ad: {  	_ =	swait.ge @!p0 [sflag:s16], $0x2000  }
0x1ae: {  	s15 =	sadd.s32 $0x1, s15;
	[sflag:s16] =	ssyncset.done @!p0 $0x0  }
0x1af: {  	p1 =	sne.s32 s15, s20;
	s17 =	stileid.u32;
	[sflag:s16] =	ssyncadd.s32 @!p0 $0xFFFFE000  }
0x1b0: {  	s18 =	sshrl.u32 s5, $0x3;
	s16 =	sshll.u32 s17, $0x6;
	[bflag:$0x0] =	sbarrier.arrive $0xFFFF  }
.Ltmp4:
0x1b1: {  	s16 =	sor.u32 $0x1C09, s16;
	s19 =	rddreg [dreg:$0x12];
	(pc) =	sbr.rel @p1 .LBB2_1-.Ltmp4, $4  }
0x1b2: {  	[hbm:s19], [sflag:s16] =	dma.local [spmem:s18], $0x2800  }
0x1b3: {  	_ =	swait.ge [sflag:s14], $0x2800  }
0x1b4: {  	[sflag:s14] =	ssyncset.done $0x0  }
0x1b5: {  	[sflag:s14] =	ssyncadd.s32 $0xFFFFD800  }
0x1b6: {  	_ =	sfence.sel $0x180000  }
0x1b7: {  	[bflag:$0x0] =	sbarrier.arrive $0xFFFF  }
0x1b8: {  	_ =	strace $0x90000047  }
0x1b9: {  	s0 =	stileid.u32;
	[bflag:$0x2] =	sbarrier.arrive $0xFFFF  }
0x1ba: {  	p0 =	sne.s32 s0, $0x0;
	s0 =	rddreg [dreg:$0x4]  }
0x1bb: {  	s0 =	sadd.s32 @!p0 $0x100000, s0  }
0x1bc: {  	[sflag:s0] =	ssyncadd.tile.s32 @!p0 $0x1;
	_ =	shalt  }
.Lfunc_end2:
_tile_overlayer_lowered:
.L_overlay_start_2:
0x1bd: {  	(tag) =	ssettag $0x2  }
0x1be: {  	s0 =	rddreg [dreg:$0x0];
	s2 =	stileid.u32  }
0x1bf: {  	s1 =	rddreg [dreg:$0x1];
	p0 =	sne.s32 s2, $0x0  }
0x1c0: {  	s3 =	rddreg [dreg:$0x2];
	[bflag:$0x3] =	sbarrier.arrive $0xFFFF;
	s2 =	simm.s32 @!p0 $0x1C09  }
0x1c1: {  	[timem:s3], [sflag:s2] =	dma.local @!p0 [hbm:s0], s1  }
0x1c2: {  	s0 =	simm.s32 @!p0 $0x9  }
0x1c3: {  	_ =	swait.ge @!p0 [sflag:s0], s1  }
0x1c4: {  	s1 =	ssub.s32 @!p0 $0x0, s1;
	[sflag:s0] =	ssyncset.done @!p0 $0x0  }
0x1c5: {  	[sflag:s0] =	ssyncadd.s32 @!p0 s1  }
0x1c6: {  	[bflag:$0x3] =	sbarrier.arrive $0xFFFF  }
0x1c7: {  	_ =	shalt  }

</sc_bundles>
